<compile_context>
chip_gen: v7x
topology: tpu7x:2x2x1
jax: 0.10.2.dev20260603
libtpu: 0.0.44.dev20260713+nightly
codegen_flags: <defaults>
</compile_context>

<pallas_src>
import jax
import jax.numpy as jnp
from jax import lax
from jax.experimental import pallas as pl
from jax.experimental.pallas import tpu as pltpu
from jax.experimental.pallas import tpu_sc as plsc

SB = 0.1
N = 50000
PID_MAX = 1000

NUM_TILES = 16
LANES = 16
BINS = 1024
NOISE_COL = 1008
ITERS = -(-N // (NUM_TILES * LANES))
CHUNK = ITERS * LANES
LAST_BASE = N - CHUNK
OVERLAP_VECS = (NUM_TILES * CHUNK - N) // LANES


def _sc_body(beta_hbm, pid_hbm, out_hbm, beta_v, pid_v, bins, stg_row,
             stg, obuf, shstg, sem):
  wid = lax.axis_index("s")
  lane = lax.iota(jnp.int32, 16)
  zeros = jnp.zeros((16,), jnp.float32)
  ones = jnp.full((16,), 1.0, jnp.float32)
  minus1 = jnp.full((16,), -1.0, jnp.float32)

  base = jnp.where(wid == NUM_TILES - 1, LAST_BASE, wid * CHUNK)
  noise_start = jnp.where(wid == NUM_TILES - 1, OVERLAP_VECS, 0)
  cp_b = pltpu.async_copy(
      beta_hbm.at[pl.ds(base, CHUNK)], beta_v.at[pl.ds(0, CHUNK)], sem)
  cp_p = pltpu.async_copy(
      pid_hbm.at[pl.ds(base, CHUNK)], pid_v.at[pl.ds(0, CHUNK)], sem)

  def init_body(c, _):
    for k in range(LANES):
      bins[pl.ds(c * 256 + k * 16, 16)] = minus1
    return 0

  lax.fori_loop(0, LANES * BINS // 256, init_body, 0)
  cp_b.wait()
  cp_p.wait()

  lane_base = lane * BINS

  p0 = pid_v[pl.ds(0, 16)]
  b0v = beta_v[pl.ds(0, 16)]

  def scan_body(i, carry):
    p, b, ns, nc = carry
    pn = pid_v[pl.ds(i * 16 + 16, 16)]
    bn = beta_v[pl.ds(i * 16 + 16, 16)]
    idx = lane_base + p
    old = plsc.load_gather(bins, [idx])
    plsc.store_scatter(bins, [idx], jnp.maximum(old, b))
    isn = (p == 0) & (i >= noise_start)
    ns = ns + jnp.where(isn, b, zeros)
    nc = nc + jnp.where(isn, ones, zeros)
    return pn, bn, ns, nc

  _, _, ns, nc = lax.fori_loop(0, ITERS, scan_body, (p0, b0v, zeros, zeros))

  def lred_body(c, _):
    acc = bins[pl.ds(c * 16, 16)]
    for l in range(1, LANES):
      acc = jnp.maximum(acc, bins[pl.ds(l * BINS + c * 16, 16)])
    stg_row[pl.ds(c * 16, 16)] = acc
    return 0

  lax.fori_loop(0, BINS // 16, lred_body, 0)

  nsb = jnp.broadcast_to(jnp.sum(ns), (16,))
  ncb = jnp.broadcast_to(jnp.sum(nc), (16,))
  noise_pack = jnp.where(lane == 0, nsb, jnp.where(lane == 1, ncb, zeros))
  stg_row[pl.ds(NOISE_COL, 16)] = noise_pack
  pltpu.sync_copy(stg_row, shstg.at[wid])
  plsc.subcore_barrier()

  @pl.when(wid == 0)
  def _final():
    pltpu.sync_copy(shstg, stg)
    b0 = beta_v[pl.ds(0, 16)][0]

    def fin_body(c, carry):
      st, pc = carry
      m = stg[0, pl.ds(c * 16, 16)]
      for l in range(1, NUM_TILES):
        m = jnp.maximum(m, stg[l, pl.ds(c * 16, 16)])
      cols = c * 16 + lane
      present = (cols >= 1) & (cols < PID_MAX) & (m >= 0.0)
      ba = jnp.where(m > 0.0, m, b0)
      st = st + jnp.where(present, 1.0 - ba, zeros)
      pc = pc + jnp.where(present, ones, zeros)
      return st, pc

    st, pc = lax.fori_loop(0, BINS // 16, fin_body, (zeros, zeros))
    nacc = zeros
    for r in range(NUM_TILES):
      nacc = nacc + stg[r, pl.ds(NOISE_COL, 16)]
    sum_terms = jnp.broadcast_to(jnp.sum(st), (16,))
    pcnt = jnp.broadcast_to(jnp.sum(pc), (16,))
    nsum = jnp.broadcast_to(nacc[0], (16,))
    ncnt = jnp.broadcast_to(nacc[1], (16,))
    def refined_div(x, y):
      q = x / y
      return q + (x - q * y) / y

    loss = refined_div(sum_terms, pcnt)
    loss = jnp.where(ncnt > 0.0, loss + SB * refined_div(nsum, ncnt), loss)
    obuf[...] = loss
    pltpu.sync_copy(obuf, out_hbm)


@jax.jit
def _sc_loss(beta_p, pid_p):
  mesh = plsc.VectorSubcoreMesh(
      core_axis_name="c", subcore_axis_name="s", num_cores=1)
  f = pl.kernel(
      _sc_body,
      out_type=jax.ShapeDtypeStruct((16,), jnp.float32),
      mesh=mesh,
      scratch_types=[
          pltpu.VMEM((CHUNK + 16,), jnp.float32),
          pltpu.VMEM((CHUNK + 16,), jnp.int32),
          pltpu.VMEM((LANES * BINS,), jnp.float32),
          pltpu.VMEM((BINS,), jnp.float32),
          pltpu.VMEM((NUM_TILES, BINS), jnp.float32),
          pltpu.VMEM((16,), jnp.float32),
          pltpu.VMEM_SHARED((NUM_TILES, BINS), jnp.float32),
          pltpu.SemaphoreType.DMA,
      ],
      compiler_params=pltpu.CompilerParams(needs_layout_passes=False),
  )
  return f(beta_p, pid_p)


def kernel(beta, particle_id):
  out = _sc_loss(beta, particle_id)
  return out[0]

# --- scband reference (transcript-rebuilt; emitter-appended) ---
"""Pipeline reference for scband-background-loss-6468220748638 (READ-ONLY COPY).

The authoritative reference and input builder live on the scoring server;
editing this copy changes nothing except your own understanding.
"""

import jax, jax.numpy as jnp
import numpy as np

SB = 0.1
N = 50000
PID_MAX = 1000

def setup_inputs(seed: int = 0) -> dict:
    key = jax.random.key(seed)
    k1, k2 = jax.random.split(key)
    beta = jax.random.uniform(k1, (N,), dtype=jnp.float32)
    particle_id = jax.random.randint(k2, (N,), 0, PID_MAX, dtype=jnp.int32)
    return {"beta": beta, "particle_id": particle_id}

def reference(beta, particle_id):
    # pids = all candidate positive particle ids (static range); track which are present
    pids = jnp.arange(1, PID_MAX, dtype=particle_id.dtype)
    # [N, P] membership mask
    pid_masks = (particle_id[:, None] == pids[None, :])
    present = jnp.any(pid_masks, axis=0)
    # condensation point per pid: hit with max beta within the pid
    alphas = jnp.argmax(pid_masks.astype(beta.dtype) * beta[:, None], axis=0)
    beta_alphas = beta[alphas]
    terms = jnp.where(present, 1.0 - beta_alphas, 0.0)
    loss = jnp.sum(terms) / jnp.sum(present)
    noise_mask = particle_id == 0
    noise_cnt = jnp.sum(noise_mask)
    noise_mean = jnp.sum(jnp.where(noise_mask, beta, 0.0)) / noise_cnt
    loss = jnp.where(noise_cnt > 0, loss + SB * noise_mean, loss)
    return loss

if __name__ == "__main__":
    import jax
    _d = setup_inputs()
    print(jax.jit(kernel)(*tuple(_d.values())))

</pallas_src>

<mosaic_0001>
#map = affine_map<(d0, d1) -> (0)>
module attributes {stable_mosaic.version = 14 : i64} {
  func.func @_sc_body(%arg0: i32, %arg1: i32, %arg2: memref<50000xf32, #tpu.memory_space<hbm>>, %arg3: memref<50000xi32, #tpu.memory_space<hbm>>, %arg4: memref<16xf32, #tpu.memory_space<hbm>>, %arg5: memref<3152xf32, #tpu.memory_space<vmem>>, %arg6: memref<3152xi32, #tpu.memory_space<vmem>>, %arg7: memref<16384xf32, #tpu.memory_space<vmem>>, %arg8: memref<1024xf32, #tpu.memory_space<vmem>>, %arg9: memref<16x1024xf32, #tpu.memory_space<vmem>>, %arg10: memref<16xf32, #tpu.memory_space<vmem>>, %arg11: memref<16x1024xf32, #tpu.memory_space<vmem_shared>>, %arg12: memref<!tpu.dma_semaphore, #tpu.memory_space<semaphore_mem>>) attributes {dimension_semantics = [#tpu.dimension_semantics<core_parallel>, #tpu.dimension_semantics<subcore_parallel>], iteration_bounds = array<i64: 1, 16>, scalar_prefetch = 0 : i64, scratch_operands = 8 : i64, tpu.core_type = #tpu.core_type<sc_vector_subcore>, window_params = [{transform_indices = #map}, {transform_indices = #map}, {transform_indices = #map}]} {
    %iota3A = tpu.iota {dimensions = array<i32: 0>} : vector<16xi32>
    %broadcast_in_dim3A = arith.constant 0.000000e+00 : f32
    %broadcast_in_dim3A_0 = vector.broadcast %broadcast_in_dim3A : f32 to vector<16xf32>
    %broadcast_in_dim3A_1 = arith.constant 1.000000e+00 : f32
    %broadcast_in_dim3A_2 = vector.broadcast %broadcast_in_dim3A_1 : f32 to vector<16xf32>
    %broadcast_in_dim3A_3 = arith.constant -1.000000e+00 : f32
    %broadcast_in_dim3A_4 = vector.broadcast %broadcast_in_dim3A_3 : f32 to vector<16xf32>
    %eq3A = arith.constant 15 : i32
    %eq3A_5 = arith.cmpi eq, %arg1, %eq3A : i32
    %mul3A = arith.constant 3136 : i32
    %mul3A_6 = arith.muli %arg1, %mul3A : i32
    %jit3A = arith.constant 46864 : i32
    %select_n3A = arith.select %eq3A_5, %jit3A, %mul3A_6 : i32
    %eq3A_7 = arith.constant 15 : i32
    %eq3A_8 = arith.cmpi eq, %arg1, %eq3A_7 : i32
    %jit3A_9 = arith.constant 11 : i32
    %jit3A_10 = arith.constant 0 : i32
    %select_n3A_11 = arith.select %eq3A_8, %jit3A_9, %jit3A_10 : i32
    %dma_start3A = arith.constant 0 : i32
    %dma_start3A_12 = tpu.memref_slice %arg5[%dma_start3A] : memref<3152xf32, #tpu.memory_space<vmem>> -> memref<3136xf32, #tpu.memory_space<vmem>>
    %dma_start3A_13 = tpu.memref_slice %arg2[%select_n3A] : memref<50000xf32, #tpu.memory_space<hbm>> -> memref<3136xf32, #tpu.memory_space<hbm>>
    %dma_start3A_14 = arith.constant 0 : i32
    %dma_start3A_15 = tpu.memref_slice %arg5[%dma_start3A_14] : memref<3152xf32, #tpu.memory_space<vmem>> -> memref<3136xf32, #tpu.memory_space<vmem>>
    %dma_start3A_16 = tpu.memref_slice %arg2[%select_n3A] : memref<50000xf32, #tpu.memory_space<hbm>> -> memref<3136xf32, #tpu.memory_space<hbm>>
    tpu.enqueue_dma source(%dma_start3A_16 : memref<3136xf32, #tpu.memory_space<hbm>>) target(%dma_start3A_15 : memref<3136xf32, #tpu.memory_space<vmem>>) target_semaphore(%arg12 : memref<!tpu.dma_semaphore, #tpu.memory_space<semaphore_mem>>)
    %dma_start3A_17 = arith.constant 0 : i32
    %dma_start3A_18 = tpu.memref_slice %arg6[%dma_start3A_17] : memref<3152xi32, #tpu.memory_space<vmem>> -> memref<3136xi32, #tpu.memory_space<vmem>>
    %dma_start3A_19 = tpu.memref_slice %arg3[%select_n3A] : memref<50000xi32, #tpu.memory_space<hbm>> -> memref<3136xi32, #tpu.memory_space<hbm>>
    %dma_start3A_20 = arith.constant 0 : i32
    %dma_start3A_21 = tpu.memref_slice %arg6[%dma_start3A_20] : memref<3152xi32, #tpu.memory_space<vmem>> -> memref<3136xi32, #tpu.memory_space<vmem>>
    %dma_start3A_22 = tpu.memref_slice %arg3[%select_n3A] : memref<50000xi32, #tpu.memory_space<hbm>> -> memref<3136xi32, #tpu.memory_space<hbm>>
    tpu.enqueue_dma source(%dma_start3A_22 : memref<3136xi32, #tpu.memory_space<hbm>>) target(%dma_start3A_21 : memref<3136xi32, #tpu.memory_space<vmem>>) target_semaphore(%arg12 : memref<!tpu.dma_semaphore, #tpu.memory_space<semaphore_mem>>)
    %scan3A = arith.constant 0 : i32
    %scan3A_23 = arith.constant 0 : i32
    %scan3A_24 = arith.constant 64 : i32
    %scan3A_25 = arith.addi %scan3A_23, %scan3A_24 : i32
    %scan3A_26 = arith.constant 1 : i32
    %scan3A_27 = scf.for %scan3A_80 = %scan3A_23 to %scan3A_25 step %scan3A_26 iter_args(%scan3A_81 = %scan3A) -> (i32)  : i32 {
      %mul3A_82 = arith.constant 256 : i32
      %mul3A_83 = arith.muli %scan3A_80, %mul3A_82 : i32
      %add3A = arith.constant 0 : i32
      %add3A_84 = arith.addi %mul3A_83, %add3A : i32
      %swap3A_85 = arith.index_cast %add3A_84 : i32 to index
      %swap3A_86 = tpu.vector_load %arg7[%swap3A_85] {strides = array<i32>} : memref<16384xf32, #tpu.memory_space<vmem>>, vector<16xf32>,
      tpu.vector_store %arg7[%swap3A_85], %broadcast_in_dim3A_4 {strides = array<i32>} : memref<16384xf32, #tpu.memory_space<vmem>>, vector<16xf32>,
      %mul3A_87 = arith.constant 256 : i32
      %mul3A_88 = arith.muli %scan3A_80, %mul3A_87 : i32
      %add3A_89 = arith.constant 16 : i32
      %add3A_90 = arith.addi %mul3A_88, %add3A_89 : i32
      %swap3A_91 = arith.index_cast %add3A_90 : i32 to index
      %swap3A_92 = tpu.vector_load %arg7[%swap3A_91] {strides = array<i32>} : memref<16384xf32, #tpu.memory_space<vmem>>, vector<16xf32>,
      tpu.vector_store %arg7[%swap3A_91], %broadcast_in_dim3A_4 {strides = array<i32>} : memref<16384xf32, #tpu.memory_space<vmem>>, vector<16xf32>,
      %mul3A_93 = arith.constant 256 : i32
      %mul3A_94 = arith.muli %scan3A_80, %mul3A_93 : i32
      %add3A_95 = arith.constant 32 : i32
      %add3A_96 = arith.addi %mul3A_94, %add3A_95 : i32
      %swap3A_97 = arith.index_cast %add3A_96 : i32 to index
      %swap3A_98 = tpu.vector_load %arg7[%swap3A_97] {strides = array<i32>} : memref<16384xf32, #tpu.memory_space<vmem>>, vector<16xf32>,
      tpu.vector_store %arg7[%swap3A_97], %broadcast_in_dim3A_4 {strides = array<i32>} : memref<16384xf32, #tpu.memory_space<vmem>>, vector<16xf32>,
      %mul3A_99 = arith.constant 256 : i32
      %mul3A_100 = arith.muli %scan3A_80, %mul3A_99 : i32
      %add3A_101 = arith.constant 48 : i32
      %add3A_102 = arith.addi %mul3A_100, %add3A_101 : i32
      %swap3A_103 = arith.index_cast %add3A_102 : i32 to index
      %swap3A_104 = tpu.vector_load %arg7[%swap3A_103] {strides = array<i32>} : memref<16384xf32, #tpu.memory_space<vmem>>, vector<16xf32>,
      tpu.vector_store %arg7[%swap3A_103], %broadcast_in_dim3A_4 {strides = array<i32>} : memref<16384xf32, #tpu.memory_space<vmem>>, vector<16xf32>,
      %mul3A_105 = arith.constant 256 : i32
      %mul3A_106 = arith.muli %scan3A_80, %mul3A_105 : i32
      %add3A_107 = arith.constant 64 : i32
      %add3A_108 = arith.addi %mul3A_106, %add3A_107 : i32
      %swap3A_109 = arith.index_cast %add3A_108 : i32 to index
      %swap3A_110 = tpu.vector_load %arg7[%swap3A_109] {strides = array<i32>} : memref<16384xf32, #tpu.memory_space<vmem>>, vector<16xf32>,
      tpu.vector_store %arg7[%swap3A_109], %broadcast_in_dim3A_4 {strides = array<i32>} : memref<16384xf32, #tpu.memory_space<vmem>>, vector<16xf32>,
      %mul3A_111 = arith.constant 256 : i32
      %mul3A_112 = arith.muli %scan3A_80, %mul3A_111 : i32
      %add3A_113 = arith.constant 80 : i32
      %add3A_114 = arith.addi %mul3A_112, %add3A_113 : i32
      %swap3A_115 = arith.index_cast %add3A_114 : i32 to index
      %swap3A_116 = tpu.vector_load %arg7[%swap3A_115] {strides = array<i32>} : memref<16384xf32, #tpu.memory_space<vmem>>, vector<16xf32>,
      tpu.vector_store %arg7[%swap3A_115], %broadcast_in_dim3A_4 {strides = array<i32>} : memref<16384xf32, #tpu.memory_space<vmem>>, vector<16xf32>,
      %mul3A_117 = arith.constant 256 : i32
      %mul3A_118 = arith.muli %scan3A_80, %mul3A_117 : i32
      %add3A_119 = arith.constant 96 : i32
      %add3A_120 = arith.addi %mul3A_118, %add3A_119 : i32
      %swap3A_121 = arith.index_cast %add3A_120 : i32 to index
      %swap3A_122 = tpu.vector_load %arg7[%swap3A_121] {strides = array<i32>} : memref<16384xf32, #tpu.memory_space<vmem>>, vector<16xf32>,
      tpu.vector_store %arg7[%swap3A_121], %broadcast_in_dim3A_4 {strides = array<i32>} : memref<16384xf32, #tpu.memory_space<vmem>>, vector<16xf32>,
      %mul3A_123 = arith.constant 256 : i32
      %mul3A_124 = arith.muli %scan3A_80, %mul3A_123 : i32
      %add3A_125 = arith.constant 112 : i32
      %add3A_126 = arith.addi %mul3A_124, %add3A_125 : i32
      %swap3A_127 = arith.index_cast %add3A_126 : i32 to index
      %swap3A_128 = tpu.vector_load %arg7[%swap3A_127] {strides = array<i32>} : memref<16384xf32, #tpu.memory_space<vmem>>, vector<16xf32>,
      tpu.vector_store %arg7[%swap3A_127], %broadcast_in_dim3A_4 {strides = array<i32>} : memref<16384xf32, #tpu.memory_space<vmem>>, vector<16xf32>,
      %mul3A_129 = arith.constant 256 : i32
      %mul3A_130 = arith.muli %scan3A_80, %mul3A_129 : i32
      %add3A_131 = arith.constant 128 : i32
      %add3A_132 = arith.addi %mul3A_130, %add3A_131 : i32
      %swap3A_133 = arith.index_cast %add3A_132 : i32 to index
      %swap3A_134 = tpu.vector_load %arg7[%swap3A_133] {strides = array<i32>} : memref<16384xf32, #tpu.memory_space<vmem>>, vector<16xf32>,
      tpu.vector_store %arg7[%swap3A_133], %broadcast_in_dim3A_4 {strides = array<i32>} : memref<16384xf32, #tpu.memory_space<vmem>>, vector<16xf32>,
      %mul3A_135 = arith.constant 256 : i32
      %mul3A_136 = arith.muli %scan3A_80, %mul3A_135 : i32
      %add3A_137 = arith.constant 144 : i32
      %add3A_138 = arith.addi %mul3A_136, %add3A_137 : i32
      %swap3A_139 = arith.index_cast %add3A_138 : i32 to index
      %swap3A_140 = tpu.vector_load %arg7[%swap3A_139] {strides = array<i32>} : memref<16384xf32, #tpu.memory_space<vmem>>, vector<16xf32>,
      tpu.vector_store %arg7[%swap3A_139], %broadcast_in_dim3A_4 {strides = array<i32>} : memref<16384xf32, #tpu.memory_space<vmem>>, vector<16xf32>,
      %mul3A_141 = arith.constant 256 : i32
      %mul3A_142 = arith.muli %scan3A_80, %mul3A_141 : i32
      %add3A_143 = arith.constant 160 : i32
      %add3A_144 = arith.addi %mul3A_142, %add3A_143 : i32
      %swap3A_145 = arith.index_cast %add3A_144 : i32 to index
      %swap3A_146 = tpu.vector_load %arg7[%swap3A_145] {strides = array<i32>} : memref<16384xf32, #tpu.memory_space<vmem>>, vector<16xf32>,
      tpu.vector_store %arg7[%swap3A_145], %broadcast_in_dim3A_4 {strides = array<i32>} : memref<16384xf32, #tpu.memory_space<vmem>>, vector<16xf32>,
      %mul3A_147 = arith.constant 256 : i32
      %mul3A_148 = arith.muli %scan3A_80, %mul3A_147 : i32
      %add3A_149 = arith.constant 176 : i32
      %add3A_150 = arith.addi %mul3A_148, %add3A_149 : i32
      %swap3A_151 = arith.index_cast %add3A_150 : i32 to index
      %swap3A_152 = tpu.vector_load %arg7[%swap3A_151] {strides = array<i32>} : memref<16384xf32, #tpu.memory_space<vmem>>, vector<16xf32>,
      tpu.vector_store %arg7[%swap3A_151], %broadcast_in_dim3A_4 {strides = array<i32>} : memref<16384xf32, #tpu.memory_space<vmem>>, vector<16xf32>,
      %mul3A_153 = arith.constant 256 : i32
      %mul3A_154 = arith.muli %scan3A_80, %mul3A_153 : i32
      %add3A_155 = arith.constant 192 : i32
      %add3A_156 = arith.addi %mul3A_154, %add3A_155 : i32
      %swap3A_157 = arith.index_cast %add3A_156 : i32 to index
      %swap3A_158 = tpu.vector_load %arg7[%swap3A_157] {strides = array<i32>} : memref<16384xf32, #tpu.memory_space<vmem>>, vector<16xf32>,
      tpu.vector_store %arg7[%swap3A_157], %broadcast_in_dim3A_4 {strides = array<i32>} : memref<16384xf32, #tpu.memory_space<vmem>>, vector<16xf32>,
      %mul3A_159 = arith.constant 256 : i32
      %mul3A_160 = arith.muli %scan3A_80, %mul3A_159 : i32
      %add3A_161 = arith.constant 208 : i32
      %add3A_162 = arith.addi %mul3A_160, %add3A_161 : i32
      %swap3A_163 = arith.index_cast %add3A_162 : i32 to index
      %swap3A_164 = tpu.vector_load %arg7[%swap3A_163] {strides = array<i32>} : memref<16384xf32, #tpu.memory_space<vmem>>, vector<16xf32>,
      tpu.vector_store %arg7[%swap3A_163], %broadcast_in_dim3A_4 {strides = array<i32>} : memref<16384xf32, #tpu.memory_space<vmem>>, vector<16xf32>,
      %mul3A_165 = arith.constant 256 : i32
      %mul3A_166 = arith.muli %scan3A_80, %mul3A_165 : i32
      %add3A_167 = arith.constant 224 : i32
      %add3A_168 = arith.addi %mul3A_166, %add3A_167 : i32
      %swap3A_169 = arith.index_cast %add3A_168 : i32 to index
      %swap3A_170 = tpu.vector_load %arg7[%swap3A_169] {strides = array<i32>} : memref<16384xf32, #tpu.memory_space<vmem>>, vector<16xf32>,
      tpu.vector_store %arg7[%swap3A_169], %broadcast_in_dim3A_4 {strides = array<i32>} : memref<16384xf32, #tpu.memory_space<vmem>>, vector<16xf32>,
      %mul3A_171 = arith.constant 256 : i32
      %mul3A_172 = arith.muli %scan3A_80, %mul3A_171 : i32
      %add3A_173 = arith.constant 240 : i32
      %add3A_174 = arith.addi %mul3A_172, %add3A_173 : i32
      %swap3A_175 = arith.index_cast %add3A_174 : i32 to index
      %swap3A_176 = tpu.vector_load %arg7[%swap3A_175] {strides = array<i32>} : memref<16384xf32, #tpu.memory_space<vmem>>, vector<16xf32>,
      tpu.vector_store %arg7[%swap3A_175], %broadcast_in_dim3A_4 {strides = array<i32>} : memref<16384xf32, #tpu.memory_space<vmem>>, vector<16xf32>,
      %scan3A_177 = arith.constant 0 : i32
      scf.yield %scan3A_177 : i32
    }
    %scan3A_28 = arith.constant 64 : i32
    %dma_wait3A = arith.constant 0 : i32
    %dma_wait3A_29 = tpu.memref_slice %arg5[%dma_wait3A] : memref<3152xf32, #tpu.memory_space<vmem>> -> memref<3136xf32, #tpu.memory_space<vmem>>
    %dma_wait3A_30 = tpu.memref_slice %arg2[%select_n3A] : memref<50000xf32, #tpu.memory_space<hbm>> -> memref<3136xf32, #tpu.memory_space<hbm>>
    %dma_wait3A_31 = arith.constant 0 : i32
    %dma_wait3A_32 = tpu.memref_slice %arg5[%dma_wait3A_31] : memref<3152xf32, #tpu.memory_space<vmem>> -> memref<3136xf32, #tpu.memory_space<vmem>>
    %dma_wait3A_33 = tpu.memref_slice %arg2[%select_n3A] : memref<50000xf32, #tpu.memory_space<hbm>> -> memref<3136xf32, #tpu.memory_space<hbm>>
    tpu.wait_dma2 semaphore(%arg12 : memref<!tpu.dma_semaphore, #tpu.memory_space<semaphore_mem>>) src(%dma_wait3A_33 : memref<3136xf32, #tpu.memory_space<hbm>>) dst(%dma_wait3A_32 : memref<3136xf32, #tpu.memory_space<vmem>>)
    %dma_wait3A_34 = arith.constant 0 : i32
    %dma_wait3A_35 = tpu.memref_slice %arg6[%dma_wait3A_34] : memref<3152xi32, #tpu.memory_space<vmem>> -> memref<3136xi32, #tpu.memory_space<vmem>>
    %dma_wait3A_36 = tpu.memref_slice %arg3[%select_n3A] : memref<50000xi32, #tpu.memory_space<hbm>> -> memref<3136xi32, #tpu.memory_space<hbm>>
    %dma_wait3A_37 = arith.constant 0 : i32
    %dma_wait3A_38 = tpu.memref_slice %arg6[%dma_wait3A_37] : memref<3152xi32, #tpu.memory_space<vmem>> -> memref<3136xi32, #tpu.memory_space<vmem>>
    %dma_wait3A_39 = tpu.memref_slice %arg3[%select_n3A] : memref<50000xi32, #tpu.memory_space<hbm>> -> memref<3136xi32, #tpu.memory_space<hbm>>
    tpu.wait_dma2 semaphore(%arg12 : memref<!tpu.dma_semaphore, #tpu.memory_space<semaphore_mem>>) src(%dma_wait3A_39 : memref<3136xi32, #tpu.memory_space<hbm>>) dst(%dma_wait3A_38 : memref<3136xi32, #tpu.memory_space<vmem>>)
    %mul3A_40 = arith.constant 1024 : i32
    %mul3A_41 = vector.broadcast %mul3A_40 : i32 to vector<16xi32>
    %mul3A_42 = arith.muli %iota3A, %mul3A_41 : vector<16xi32>
    %get3A = arith.constant 0 : index
    %get3A_43 = tpu.vector_load %arg6[%get3A] {strides = array<i32>} : memref<3152xi32, #tpu.memory_space<vmem>>, vector<16xi32>,
    %get3A_44 = arith.constant 0 : index
    %get3A_45 = tpu.vector_load %arg5[%get3A_44] {strides = array<i32>} : memref<3152xf32, #tpu.memory_space<vmem>>, vector<16xf32>,
    %scan3A_46 = arith.constant 0 : i32
    %scan3A_47 = arith.constant 196 : i32
    %scan3A_48 = arith.addi %scan3A_46, %scan3A_47 : i32
    %scan3A_49 = arith.constant 1 : i32
    %scan3A_50:4 = scf.for %scan3A_80 = %scan3A_46 to %scan3A_48 step %scan3A_49 iter_args(%scan3A_81 = %get3A_43, %scan3A_82 = %get3A_45, %scan3A_83 = %broadcast_in_dim3A_0, %scan3A_84 = %broadcast_in_dim3A_0) -> (vector<16xi32>, vector<16xf32>, vector<16xf32>, vector<16xf32>)  : i32 {
      %mul3A_85 = arith.constant 16 : i32
      %mul3A_86 = arith.muli %scan3A_80, %mul3A_85 : i32
      %add3A = arith.constant 16 : i32
      %add3A_87 = arith.addi %mul3A_86, %add3A : i32
      %get3A_88 = arith.index_cast %add3A_87 : i32 to index
      %get3A_89 = tpu.vector_load %arg6[%get3A_88] {strides = array<i32>} : memref<3152xi32, #tpu.memory_space<vmem>>, vector<16xi32>,
      %mul3A_90 = arith.constant 16 : i32
      %mul3A_91 = arith.muli %scan3A_80, %mul3A_90 : i32
      %add3A_92 = arith.constant 16 : i32
      %add3A_93 = arith.addi %mul3A_91, %add3A_92 : i32
      %get3A_94 = arith.index_cast %add3A_93 : i32 to index
      %get3A_95 = tpu.vector_load %arg5[%get3A_94] {strides = array<i32>} : memref<3152xf32, #tpu.memory_space<vmem>>, vector<16xf32>,
      %add3A_96 = arith.addi %mul3A_42, %scan3A_81 : vector<16xi32>
      %gather3A = tpu.vector_load_idx %arg7[%add3A_96] : memref<16384xf32, #tpu.memory_space<vmem>>[vector<16xi32>], vector<16xf32>,
      %max3A = arith.maximumf %gather3A, %scan3A_82 : vector<16xf32>
      tpu.vector_store_idx %arg7[%add3A_96], %max3A : memref<16384xf32, #tpu.memory_space<vmem>>[vector<16xi32>], vector<16xf32>,
      %eq3A_97 = arith.constant 0 : i32
      %eq3A_98 = vector.broadcast %eq3A_97 : i32 to vector<16xi32>
      %eq3A_99 = arith.cmpi eq, %scan3A_81, %eq3A_98 : vector<16xi32>
      %ge3A = arith.cmpi sge, %scan3A_80, %select_n3A_11 : i32
      %and3A = vector.broadcast %ge3A : i1 to vector<16xi1>
      %and3A_100 = arith.andi %eq3A_99, %and3A : vector<16xi1>
      %select_n3A_101 = arith.select %and3A_100, %scan3A_82, %broadcast_in_dim3A_0 : vector<16xi1>, vector<16xf32>
      %add3A_102 = arith.addf %scan3A_83, %select_n3A_101 : vector<16xf32>
      %select_n3A_103 = arith.select %and3A_100, %broadcast_in_dim3A_2, %broadcast_in_dim3A_0 : vector<16xi1>, vector<16xf32>
      %add3A_104 = arith.addf %scan3A_84, %select_n3A_103 : vector<16xf32>
      scf.yield %get3A_89, %get3A_95, %add3A_102, %add3A_104 : vector<16xi32>, vector<16xf32>, vector<16xf32>, vector<16xf32>
    }
    %scan3A_51 = arith.constant 196 : i32
    %scan3A_52 = arith.constant 0 : i32
    %scan3A_53 = arith.constant 0 : i32
    %scan3A_54 = arith.constant 64 : i32
    %scan3A_55 = arith.addi %scan3A_53, %scan3A_54 : i32
    %scan3A_56 = arith.constant 1 : i32
    %scan3A_57 = scf.for %scan3A_80 = %scan3A_53 to %scan3A_55 step %scan3A_56 iter_args(%scan3A_81 = %scan3A_52) -> (i32)  : i32 {
      %mul3A_82 = arith.constant 16 : i32
      %mul3A_83 = arith.muli %scan3A_80, %mul3A_82 : i32
      %get3A_84 = arith.index_cast %mul3A_83 : i32 to index
      %get3A_85 = tpu.vector_load %arg7[%get3A_84] {strides = array<i32>} : memref<16384xf32, #tpu.memory_space<vmem>>, vector<16xf32>,
      %mul3A_86 = arith.constant 16 : i32
      %mul3A_87 = arith.muli %scan3A_80, %mul3A_86 : i32
      %add3A = arith.constant 1024 : i32
      %add3A_88 = arith.addi %add3A, %mul3A_87 : i32
      %get3A_89 = arith.index_cast %add3A_88 : i32 to index
      %get3A_90 = tpu.vector_load %arg7[%get3A_89] {strides = array<i32>} : memref<16384xf32, #tpu.memory_space<vmem>>, vector<16xf32>,
      %max3A = arith.maximumf %get3A_85, %get3A_90 : vector<16xf32>
      %mul3A_91 = arith.constant 16 : i32
      %mul3A_92 = arith.muli %scan3A_80, %mul3A_91 : i32
      %add3A_93 = arith.constant 2048 : i32
      %add3A_94 = arith.addi %add3A_93, %mul3A_92 : i32
      %get3A_95 = arith.index_cast %add3A_94 : i32 to index
      %get3A_96 = tpu.vector_load %arg7[%get3A_95] {strides = array<i32>} : memref<16384xf32, #tpu.memory_space<vmem>>, vector<16xf32>,
      %max3A_97 = arith.maximumf %max3A, %get3A_96 : vector<16xf32>
      %mul3A_98 = arith.constant 16 : i32
      %mul3A_99 = arith.muli %scan3A_80, %mul3A_98 : i32
      %add3A_100 = arith.constant 3072 : i32
      %add3A_101 = arith.addi %add3A_100, %mul3A_99 : i32
      %get3A_102 = arith.index_cast %add3A_101 : i32 to index
      %get3A_103 = tpu.vector_load %arg7[%get3A_102] {strides = array<i32>} : memref<16384xf32, #tpu.memory_space<vmem>>, vector<16xf32>,
      %max3A_104 = arith.maximumf %max3A_97, %get3A_103 : vector<16xf32>
      %mul3A_105 = arith.constant 16 : i32
      %mul3A_106 = arith.muli %scan3A_80, %mul3A_105 : i32
      %add3A_107 = arith.constant 4096 : i32
      %add3A_108 = arith.addi %add3A_107, %mul3A_106 : i32
      %get3A_109 = arith.index_cast %add3A_108 : i32 to index
      %get3A_110 = tpu.vector_load %arg7[%get3A_109] {strides = array<i32>} : memref<16384xf32, #tpu.memory_space<vmem>>, vector<16xf32>,
      %max3A_111 = arith.maximumf %max3A_104, %get3A_110 : vector<16xf32>
      %mul3A_112 = arith.constant 16 : i32
      %mul3A_113 = arith.muli %scan3A_80, %mul3A_112 : i32
      %add3A_114 = arith.constant 5120 : i32
      %add3A_115 = arith.addi %add3A_114, %mul3A_113 : i32
      %get3A_116 = arith.index_cast %add3A_115 : i32 to index
      %get3A_117 = tpu.vector_load %arg7[%get3A_116] {strides = array<i32>} : memref<16384xf32, #tpu.memory_space<vmem>>, vector<16xf32>,
      %max3A_118 = arith.maximumf %max3A_111, %get3A_117 : vector<16xf32>
      %mul3A_119 = arith.constant 16 : i32
      %mul3A_120 = arith.muli %scan3A_80, %mul3A_119 : i32
      %add3A_121 = arith.constant 6144 : i32
      %add3A_122 = arith.addi %add3A_121, %mul3A_120 : i32
      %get3A_123 = arith.index_cast %add3A_122 : i32 to index
      %get3A_124 = tpu.vector_load %arg7[%get3A_123] {strides = array<i32>} : memref<16384xf32, #tpu.memory_space<vmem>>, vector<16xf32>,
      %max3A_125 = arith.maximumf %max3A_118, %get3A_124 : vector<16xf32>
      %mul3A_126 = arith.constant 16 : i32
      %mul3A_127 = arith.muli %scan3A_80, %mul3A_126 : i32
      %add3A_128 = arith.constant 7168 : i32
      %add3A_129 = arith.addi %add3A_128, %mul3A_127 : i32
      %get3A_130 = arith.index_cast %add3A_129 : i32 to index
      %get3A_131 = tpu.vector_load %arg7[%get3A_130] {strides = array<i32>} : memref<16384xf32, #tpu.memory_space<vmem>>, vector<16xf32>,
      %max3A_132 = arith.maximumf %max3A_125, %get3A_131 : vector<16xf32>
      %mul3A_133 = arith.constant 16 : i32
      %mul3A_134 = arith.muli %scan3A_80, %mul3A_133 : i32
      %add3A_135 = arith.constant 8192 : i32
      %add3A_136 = arith.addi %add3A_135, %mul3A_134 : i32
      %get3A_137 = arith.index_cast %add3A_136 : i32 to index
      %get3A_138 = tpu.vector_load %arg7[%get3A_137] {strides = array<i32>} : memref<16384xf32, #tpu.memory_space<vmem>>, vector<16xf32>,
      %max3A_139 = arith.maximumf %max3A_132, %get3A_138 : vector<16xf32>
      %mul3A_140 = arith.constant 16 : i32
      %mul3A_141 = arith.muli %scan3A_80, %mul3A_140 : i32
      %add3A_142 = arith.constant 9216 : i32
      %add3A_143 = arith.addi %add3A_142, %mul3A_141 : i32
      %get3A_144 = arith.index_cast %add3A_143 : i32 to index
      %get3A_145 = tpu.vector_load %arg7[%get3A_144] {strides = array<i32>} : memref<16384xf32, #tpu.memory_space<vmem>>, vector<16xf32>,
      %max3A_146 = arith.maximumf %max3A_139, %get3A_145 : vector<16xf32>
      %mul3A_147 = arith.constant 16 : i32
      %mul3A_148 = arith.muli %scan3A_80, %mul3A_147 : i32
      %add3A_149 = arith.constant 10240 : i32
      %add3A_150 = arith.addi %add3A_149, %mul3A_148 : i32
      %get3A_151 = arith.index_cast %add3A_150 : i32 to index
      %get3A_152 = tpu.vector_load %arg7[%get3A_151] {strides = array<i32>} : memref<16384xf32, #tpu.memory_space<vmem>>, vector<16xf32>,
      %max3A_153 = arith.maximumf %max3A_146, %get3A_152 : vector<16xf32>
      %mul3A_154 = arith.constant 16 : i32
      %mul3A_155 = arith.muli %scan3A_80, %mul3A_154 : i32
      %add3A_156 = arith.constant 11264 : i32
      %add3A_157 = arith.addi %add3A_156, %mul3A_155 : i32
      %get3A_158 = arith.index_cast %add3A_157 : i32 to index
      %get3A_159 = tpu.vector_load %arg7[%get3A_158] {strides = array<i32>} : memref<16384xf32, #tpu.memory_space<vmem>>, vector<16xf32>,
      %max3A_160 = arith.maximumf %max3A_153, %get3A_159 : vector<16xf32>
      %mul3A_161 = arith.constant 16 : i32
      %mul3A_162 = arith.muli %scan3A_80, %mul3A_161 : i32
      %add3A_163 = arith.constant 12288 : i32
      %add3A_164 = arith.addi %add3A_163, %mul3A_162 : i32
      %get3A_165 = arith.index_cast %add3A_164 : i32 to index
      %get3A_166 = tpu.vector_load %arg7[%get3A_165] {strides = array<i32>} : memref<16384xf32, #tpu.memory_space<vmem>>, vector<16xf32>,
      %max3A_167 = arith.maximumf %max3A_160, %get3A_166 : vector<16xf32>
      %mul3A_168 = arith.constant 16 : i32
      %mul3A_169 = arith.muli %scan3A_80, %mul3A_168 : i32
      %add3A_170 = arith.constant 13312 : i32
      %add3A_171 = arith.addi %add3A_170, %mul3A_169 : i32
      %get3A_172 = arith.index_cast %add3A_171 : i32 to index
      %get3A_173 = tpu.vector_load %arg7[%get3A_172] {strides = array<i32>} : memref<16384xf32, #tpu.memory_space<vmem>>, vector<16xf32>,
      %max3A_174 = arith.maximumf %max3A_167, %get3A_173 : vector<16xf32>
      %mul3A_175 = arith.constant 16 : i32
      %mul3A_176 = arith.muli %scan3A_80, %mul3A_175 : i32
      %add3A_177 = arith.constant 14336 : i32
      %add3A_178 = arith.addi %add3A_177, %mul3A_176 : i32
      %get3A_179 = arith.index_cast %add3A_178 : i32 to index
      %get3A_180 = tpu.vector_load %arg7[%get3A_179] {strides = array<i32>} : memref<16384xf32, #tpu.memory_space<vmem>>, vector<16xf32>,
      %max3A_181 = arith.maximumf %max3A_174, %get3A_180 : vector<16xf32>
      %mul3A_182 = arith.constant 16 : i32
      %mul3A_183 = arith.muli %scan3A_80, %mul3A_182 : i32
      %add3A_184 = arith.constant 15360 : i32
      %add3A_185 = arith.addi %add3A_184, %mul3A_183 : i32
      %get3A_186 = arith.index_cast %add3A_185 : i32 to index
      %get3A_187 = tpu.vector_load %arg7[%get3A_186] {strides = array<i32>} : memref<16384xf32, #tpu.memory_space<vmem>>, vector<16xf32>,
      %max3A_188 = arith.maximumf %max3A_181, %get3A_187 : vector<16xf32>
      %mul3A_189 = arith.constant 16 : i32
      %mul3A_190 = arith.muli %scan3A_80, %mul3A_189 : i32
      %swap3A_191 = arith.index_cast %mul3A_190 : i32 to index
      %swap3A_192 = tpu.vector_load %arg8[%swap3A_191] {strides = array<i32>} : memref<1024xf32, #tpu.memory_space<vmem>>, vector<16xf32>,
      tpu.vector_store %arg8[%swap3A_191], %max3A_188 {strides = array<i32>} : memref<1024xf32, #tpu.memory_space<vmem>>, vector<16xf32>,
      %scan3A_193 = arith.constant 0 : i32
      scf.yield %scan3A_193 : i32
    }
    %scan3A_58 = arith.constant 64 : i32
    %reduce_sum3A = arith.constant true
    %reduce_sum3A_59 = vector.broadcast %reduce_sum3A : i1 to vector<16xi1>
    %reduce_sum3A_60 = tpu.scan <sum>, %scan3A_50#2 masked %reduce_sum3A_59 : vector<16xf32>, vector<16xi1> -> vector<16xf32>
    %reduce_sum3A_61 = vector.extract %reduce_sum3A_60[15] : f32 from vector<16xf32>
    %broadcast_in_dim3A_62 = vector.broadcast %reduce_sum3A_61 : f32 to vector<16xf32>
    %reduce_sum3A_63 = arith.constant true
    %reduce_sum3A_64 = vector.broadcast %reduce_sum3A_63 : i1 to vector<16xi1>
    %reduce_sum3A_65 = tpu.scan <sum>, %scan3A_50#3 masked %reduce_sum3A_64 : vector<16xf32>, vector<16xi1> -> vector<16xf32>
    %reduce_sum3A_66 = vector.extract %reduce_sum3A_65[15] : f32 from vector<16xf32>
    %broadcast_in_dim3A_67 = vector.broadcast %reduce_sum3A_66 : f32 to vector<16xf32>
    %eq3A_68 = arith.constant 0 : i32
    %eq3A_69 = vector.broadcast %eq3A_68 : i32 to vector<16xi32>
    %eq3A_70 = arith.cmpi eq, %iota3A, %eq3A_69 : vector<16xi32>
    %eq3A_71 = arith.constant 1 : i32
    %eq3A_72 = vector.broadcast %eq3A_71 : i32 to vector<16xi32>
    %eq3A_73 = arith.cmpi eq, %iota3A, %eq3A_72 : vector<16xi32>
    %select_n3A_74 = arith.select %eq3A_73, %broadcast_in_dim3A_67, %broadcast_in_dim3A_0 : vector<16xi1>, vector<16xf32>
    %select_n3A_75 = arith.select %eq3A_70, %broadcast_in_dim3A_62, %select_n3A_74 : vector<16xi1>, vector<16xf32>
    %swap3A = arith.constant 1008 : index
    %swap3A_76 = tpu.vector_load %arg8[%swap3A] {strides = array<i32>} : memref<1024xf32, #tpu.memory_space<vmem>>, vector<16xf32>,
    tpu.vector_store %arg8[%swap3A], %select_n3A_75 {strides = array<i32>} : memref<1024xf32, #tpu.memory_space<vmem>>, vector<16xf32>,
    "tpu.region"() ({
      %run_scoped3A = tpu.sem_alloc : memref<!tpu.dma_semaphore, #tpu.memory_space<semaphore_mem>>
      %dma_start3A_80 = arith.constant 0 : i32
      %dma_start3A_81 = tpu.memref_slice %arg11[%arg1, %dma_start3A_80] : memref<16x1024xf32, #tpu.memory_space<vmem_shared>> -> memref<1x1024xf32, #tpu.memory_space<vmem_shared>>
      %dma_start3A_82 = tpu.memref_squeeze %dma_start3A_81 : memref<1x1024xf32, #tpu.memory_space<vmem_shared>> -> memref<1024xf32, #tpu.memory_space<vmem_shared>>
      %dma_start3A_83 = arith.constant 0 : i32
      %dma_start3A_84 = tpu.memref_slice %arg11[%arg1, %dma_start3A_83] : memref<16x1024xf32, #tpu.memory_space<vmem_shared>> -> memref<1x1024xf32, #tpu.memory_space<vmem_shared>>
      %dma_start3A_85 = tpu.memref_squeeze %dma_start3A_84 : memref<1x1024xf32, #tpu.memory_space<vmem_shared>> -> memref<1024xf32, #tpu.memory_space<vmem_shared>>
      tpu.enqueue_dma source(%arg8 : memref<1024xf32, #tpu.memory_space<vmem>>) target(%dma_start3A_85 : memref<1024xf32, #tpu.memory_space<vmem_shared>>) target_semaphore(%run_scoped3A : memref<!tpu.dma_semaphore, #tpu.memory_space<semaphore_mem>>)
      %dma_wait3A_86 = arith.constant 0 : i32
      %dma_wait3A_87 = tpu.memref_slice %arg11[%arg1, %dma_wait3A_86] : memref<16x1024xf32, #tpu.memory_space<vmem_shared>> -> memref<1x1024xf32, #tpu.memory_space<vmem_shared>>
      %dma_wait3A_88 = tpu.memref_squeeze %dma_wait3A_87 : memref<1x1024xf32, #tpu.memory_space<vmem_shared>> -> memref<1024xf32, #tpu.memory_space<vmem_shared>>
      %dma_wait3A_89 = arith.constant 0 : i32
      %dma_wait3A_90 = tpu.memref_slice %arg11[%arg1, %dma_wait3A_89] : memref<16x1024xf32, #tpu.memory_space<vmem_shared>> -> memref<1x1024xf32, #tpu.memory_space<vmem_shared>>
      %dma_wait3A_91 = tpu.memref_squeeze %dma_wait3A_90 : memref<1x1024xf32, #tpu.memory_space<vmem_shared>> -> memref<1024xf32, #tpu.memory_space<vmem_shared>>
      tpu.wait_dma2 semaphore(%run_scoped3A : memref<!tpu.dma_semaphore, #tpu.memory_space<semaphore_mem>>) src(%arg8 : memref<1024xf32, #tpu.memory_space<vmem>>) dst(%dma_wait3A_91 : memref<1024xf32, #tpu.memory_space<vmem_shared>>)
      tpu.yield
    }) : () -> ()
    %barrier3A = arith.constant 0 : index
    tpu.barrier barrier_id(%barrier3A)
    %eq3A_77 = arith.constant 0 : i32
    %eq3A_78 = arith.cmpi eq, %arg1, %eq3A_77 : i32
    %convert_element_type3A = arith.extui %eq3A_78 : i1 to i32
    %cond3A = arith.constant 0 : i32
    %cond3A_79 = arith.cmpi ne, %convert_element_type3A, %cond3A : i32
    scf.if %cond3A_79 {
      "tpu.region"() ({
        %run_scoped3A = tpu.sem_alloc : memref<!tpu.dma_semaphore, #tpu.memory_space<semaphore_mem>>
        tpu.enqueue_dma source(%arg11 : memref<16x1024xf32, #tpu.memory_space<vmem_shared>>) target(%arg9 : memref<16x1024xf32, #tpu.memory_space<vmem>>) target_semaphore(%run_scoped3A : memref<!tpu.dma_semaphore, #tpu.memory_space<semaphore_mem>>)
        tpu.wait_dma2 semaphore(%run_scoped3A : memref<!tpu.dma_semaphore, #tpu.memory_space<semaphore_mem>>) src(%arg11 : memref<16x1024xf32, #tpu.memory_space<vmem_shared>>) dst(%arg9 : memref<16x1024xf32, #tpu.memory_space<vmem>>)
        tpu.yield
      }) : () -> ()
      %get3A_80 = arith.constant 0 : index
      %get3A_81 = tpu.vector_load %arg5[%get3A_80] {strides = array<i32>} : memref<3152xf32, #tpu.memory_space<vmem>>, vector<16xf32>,
      %slice3A = vector.extract_strided_slice %get3A_81 {offsets = [0], sizes = [1], strides = [1]} : vector<16xf32> to vector<1xf32>
      %squeeze3A = vector.extract %slice3A[0] : f32 from vector<1xf32>
      %scan3A_82 = arith.constant 0 : i32
      %scan3A_83 = arith.constant 64 : i32
      %scan3A_84 = arith.addi %scan3A_82, %scan3A_83 : i32
      %scan3A_85 = arith.constant 1 : i32
      %scan3A_86:2 = scf.for %scan3A_200 = %scan3A_82 to %scan3A_84 step %scan3A_85 iter_args(%scan3A_201 = %broadcast_in_dim3A_0, %scan3A_202 = %broadcast_in_dim3A_0) -> (vector<16xf32>, vector<16xf32>)  : i32 {
        %mul3A_203 = arith.constant 16 : i32
        %mul3A_204 = arith.muli %scan3A_200, %mul3A_203 : i32
        %get3A_205 = arith.constant 0 : i32
        %get3A_206 = arith.index_cast %get3A_205 : i32 to index
        %get3A_207 = arith.index_cast %mul3A_204 : i32 to index
        %get3A_208 = tpu.vector_load %arg9[%get3A_206, %get3A_207] {strides = array<i32>} : memref<16x1024xf32, #tpu.memory_space<vmem>>, vector<16xf32>,
        %mul3A_209 = arith.constant 16 : i32
        %mul3A_210 = arith.muli %scan3A_200, %mul3A_209 : i32
        %get3A_211 = arith.constant 1 : i32
        %get3A_212 = arith.index_cast %get3A_211 : i32 to index
        %get3A_213 = arith.index_cast %mul3A_210 : i32 to index
        %get3A_214 = tpu.vector_load %arg9[%get3A_212, %get3A_213] {strides = array<i32>} : memref<16x1024xf32, #tpu.memory_space<vmem>>, vector<16xf32>,
        %max3A = arith.maximumf %get3A_208, %get3A_214 : vector<16xf32>
        %mul3A_215 = arith.constant 16 : i32
        %mul3A_216 = arith.muli %scan3A_200, %mul3A_215 : i32
        %get3A_217 = arith.constant 2 : i32
        %get3A_218 = arith.index_cast %get3A_217 : i32 to index
        %get3A_219 = arith.index_cast %mul3A_216 : i32 to index
        %get3A_220 = tpu.vector_load %arg9[%get3A_218, %get3A_219] {strides = array<i32>} : memref<16x1024xf32, #tpu.memory_space<vmem>>, vector<16xf32>,
        %max3A_221 = arith.maximumf %max3A, %get3A_220 : vector<16xf32>
        %mul3A_222 = arith.constant 16 : i32
        %mul3A_223 = arith.muli %scan3A_200, %mul3A_222 : i32
        %get3A_224 = arith.constant 3 : i32
        %get3A_225 = arith.index_cast %get3A_224 : i32 to index
        %get3A_226 = arith.index_cast %mul3A_223 : i32 to index
        %get3A_227 = tpu.vector_load %arg9[%get3A_225, %get3A_226] {strides = array<i32>} : memref<16x1024xf32, #tpu.memory_space<vmem>>, vector<16xf32>,
        %max3A_228 = arith.maximumf %max3A_221, %get3A_227 : vector<16xf32>
        %mul3A_229 = arith.constant 16 : i32
        %mul3A_230 = arith.muli %scan3A_200, %mul3A_229 : i32
        %get3A_231 = arith.constant 4 : i32
        %get3A_232 = arith.index_cast %get3A_231 : i32 to index
        %get3A_233 = arith.index_cast %mul3A_230 : i32 to index
        %get3A_234 = tpu.vector_load %arg9[%get3A_232, %get3A_233] {strides = array<i32>} : memref<16x1024xf32, #tpu.memory_space<vmem>>, vector<16xf32>,
        %max3A_235 = arith.maximumf %max3A_228, %get3A_234 : vector<16xf32>
        %mul3A_236 = arith.constant 16 : i32
        %mul3A_237 = arith.muli %scan3A_200, %mul3A_236 : i32
        %get3A_238 = arith.constant 5 : i32
        %get3A_239 = arith.index_cast %get3A_238 : i32 to index
        %get3A_240 = arith.index_cast %mul3A_237 : i32 to index
        %get3A_241 = tpu.vector_load %arg9[%get3A_239, %get3A_240] {strides = array<i32>} : memref<16x1024xf32, #tpu.memory_space<vmem>>, vector<16xf32>,
        %max3A_242 = arith.maximumf %max3A_235, %get3A_241 : vector<16xf32>
        %mul3A_243 = arith.constant 16 : i32
        %mul3A_244 = arith.muli %scan3A_200, %mul3A_243 : i32
        %get3A_245 = arith.constant 6 : i32
        %get3A_246 = arith.index_cast %get3A_245 : i32 to index
        %get3A_247 = arith.index_cast %mul3A_244 : i32 to index
        %get3A_248 = tpu.vector_load %arg9[%get3A_246, %get3A_247] {strides = array<i32>} : memref<16x1024xf32, #tpu.memory_space<vmem>>, vector<16xf32>,
        %max3A_249 = arith.maximumf %max3A_242, %get3A_248 : vector<16xf32>
        %mul3A_250 = arith.constant 16 : i32
        %mul3A_251 = arith.muli %scan3A_200, %mul3A_250 : i32
        %get3A_252 = arith.constant 7 : i32
        %get3A_253 = arith.index_cast %get3A_252 : i32 to index
        %get3A_254 = arith.index_cast %mul3A_251 : i32 to index
        %get3A_255 = tpu.vector_load %arg9[%get3A_253, %get3A_254] {strides = array<i32>} : memref<16x1024xf32, #tpu.memory_space<vmem>>, vector<16xf32>,
        %max3A_256 = arith.maximumf %max3A_249, %get3A_255 : vector<16xf32>
        %mul3A_257 = arith.constant 16 : i32
        %mul3A_258 = arith.muli %scan3A_200, %mul3A_257 : i32
        %get3A_259 = arith.constant 8 : i32
        %get3A_260 = arith.index_cast %get3A_259 : i32 to index
        %get3A_261 = arith.index_cast %mul3A_258 : i32 to index
        %get3A_262 = tpu.vector_load %arg9[%get3A_260, %get3A_261] {strides = array<i32>} : memref<16x1024xf32, #tpu.memory_space<vmem>>, vector<16xf32>,
        %max3A_263 = arith.maximumf %max3A_256, %get3A_262 : vector<16xf32>
        %mul3A_264 = arith.constant 16 : i32
        %mul3A_265 = arith.muli %scan3A_200, %mul3A_264 : i32
        %get3A_266 = arith.constant 9 : i32
        %get3A_267 = arith.index_cast %get3A_266 : i32 to index
        %get3A_268 = arith.index_cast %mul3A_265 : i32 to index
        %get3A_269 = tpu.vector_load %arg9[%get3A_267, %get3A_268] {strides = array<i32>} : memref<16x1024xf32, #tpu.memory_space<vmem>>, vector<16xf32>,
        %max3A_270 = arith.maximumf %max3A_263, %get3A_269 : vector<16xf32>
        %mul3A_271 = arith.constant 16 : i32
        %mul3A_272 = arith.muli %scan3A_200, %mul3A_271 : i32
        %get3A_273 = arith.constant 10 : i32
        %get3A_274 = arith.index_cast %get3A_273 : i32 to index
        %get3A_275 = arith.index_cast %mul3A_272 : i32 to index
        %get3A_276 = tpu.vector_load %arg9[%get3A_274, %get3A_275] {strides = array<i32>} : memref<16x1024xf32, #tpu.memory_space<vmem>>, vector<16xf32>,
        %max3A_277 = arith.maximumf %max3A_270, %get3A_276 : vector<16xf32>
        %mul3A_278 = arith.constant 16 : i32
        %mul3A_279 = arith.muli %scan3A_200, %mul3A_278 : i32
        %get3A_280 = arith.constant 11 : i32
        %get3A_281 = arith.index_cast %get3A_280 : i32 to index
        %get3A_282 = arith.index_cast %mul3A_279 : i32 to index
        %get3A_283 = tpu.vector_load %arg9[%get3A_281, %get3A_282] {strides = array<i32>} : memref<16x1024xf32, #tpu.memory_space<vmem>>, vector<16xf32>,
        %max3A_284 = arith.maximumf %max3A_277, %get3A_283 : vector<16xf32>
        %mul3A_285 = arith.constant 16 : i32
        %mul3A_286 = arith.muli %scan3A_200, %mul3A_285 : i32
        %get3A_287 = arith.constant 12 : i32
        %get3A_288 = arith.index_cast %get3A_287 : i32 to index
        %get3A_289 = arith.index_cast %mul3A_286 : i32 to index
        %get3A_290 = tpu.vector_load %arg9[%get3A_288, %get3A_289] {strides = array<i32>} : memref<16x1024xf32, #tpu.memory_space<vmem>>, vector<16xf32>,
        %max3A_291 = arith.maximumf %max3A_284, %get3A_290 : vector<16xf32>
        %mul3A_292 = arith.constant 16 : i32
        %mul3A_293 = arith.muli %scan3A_200, %mul3A_292 : i32
        %get3A_294 = arith.constant 13 : i32
        %get3A_295 = arith.index_cast %get3A_294 : i32 to index
        %get3A_296 = arith.index_cast %mul3A_293 : i32 to index
        %get3A_297 = tpu.vector_load %arg9[%get3A_295, %get3A_296] {strides = array<i32>} : memref<16x1024xf32, #tpu.memory_space<vmem>>, vector<16xf32>,
        %max3A_298 = arith.maximumf %max3A_291, %get3A_297 : vector<16xf32>
        %mul3A_299 = arith.constant 16 : i32
        %mul3A_300 = arith.muli %scan3A_200, %mul3A_299 : i32
        %get3A_301 = arith.constant 14 : i32
        %get3A_302 = arith.index_cast %get3A_301 : i32 to index
        %get3A_303 = arith.index_cast %mul3A_300 : i32 to index
        %get3A_304 = tpu.vector_load %arg9[%get3A_302, %get3A_303] {strides = array<i32>} : memref<16x1024xf32, #tpu.memory_space<vmem>>, vector<16xf32>,
        %max3A_305 = arith.maximumf %max3A_298, %get3A_304 : vector<16xf32>
        %mul3A_306 = arith.constant 16 : i32
        %mul3A_307 = arith.muli %scan3A_200, %mul3A_306 : i32
        %get3A_308 = arith.constant 15 : i32
        %get3A_309 = arith.index_cast %get3A_308 : i32 to index
        %get3A_310 = arith.index_cast %mul3A_307 : i32 to index
        %get3A_311 = tpu.vector_load %arg9[%get3A_309, %get3A_310] {strides = array<i32>} : memref<16x1024xf32, #tpu.memory_space<vmem>>, vector<16xf32>,
        %max3A_312 = arith.maximumf %max3A_305, %get3A_311 : vector<16xf32>
        %mul3A_313 = arith.constant 16 : i32
        %mul3A_314 = arith.muli %scan3A_200, %mul3A_313 : i32
        %add3A_315 = vector.broadcast %mul3A_314 : i32 to vector<16xi32>
        %add3A_316 = arith.addi %add3A_315, %iota3A : vector<16xi32>
        %ge3A = arith.constant 1 : i32
        %ge3A_317 = vector.broadcast %ge3A : i32 to vector<16xi32>
        %ge3A_318 = arith.cmpi sge, %add3A_316, %ge3A_317 : vector<16xi32>
        %lt3A = arith.constant 1000 : i32
        %lt3A_319 = vector.broadcast %lt3A : i32 to vector<16xi32>
        %lt3A_320 = arith.cmpi slt, %add3A_316, %lt3A_319 : vector<16xi32>
        %and3A = arith.andi %ge3A_318, %lt3A_320 : vector<16xi1>
        %ge3A_321 = arith.constant 0.000000e+00 : f32
        %ge3A_322 = vector.broadcast %ge3A_321 : f32 to vector<16xf32>
        %ge3A_323 = arith.cmpf oge, %max3A_312, %ge3A_322 : vector<16xf32>
        %and3A_324 = arith.andi %and3A, %ge3A_323 : vector<16xi1>
        %gt3A_325 = arith.constant 0.000000e+00 : f32
        %gt3A_326 = vector.broadcast %gt3A_325 : f32 to vector<16xf32>
        %gt3A_327 = arith.cmpf ogt, %max3A_312, %gt3A_326 : vector<16xf32>
        %broadcast_in_dim3A_328 = vector.broadcast %squeeze3A : f32 to vector<16xf32>
        %select_n3A_329 = arith.select %gt3A_327, %max3A_312, %broadcast_in_dim3A_328 : vector<16xi1>, vector<16xf32>
        %sub3A_330 = arith.constant 1.000000e+00 : f32
        %sub3A_331 = vector.broadcast %sub3A_330 : f32 to vector<16xf32>
        %sub3A_332 = arith.subf %sub3A_331, %select_n3A_329 : vector<16xf32>
        %select_n3A_333 = arith.select %and3A_324, %sub3A_332, %broadcast_in_dim3A_0 : vector<16xi1>, vector<16xf32>
        %add3A_334 = arith.addf %scan3A_201, %select_n3A_333 : vector<16xf32>
        %select_n3A_335 = arith.select %and3A_324, %broadcast_in_dim3A_2, %broadcast_in_dim3A_0 : vector<16xi1>, vector<16xf32>
        %add3A_336 = arith.addf %scan3A_202, %select_n3A_335 : vector<16xf32>
        scf.yield %add3A_334, %add3A_336 : vector<16xf32>, vector<16xf32>
      }
      %scan3A_87 = arith.constant 64 : i32
      %get3A_88 = arith.constant 0 : i32
      %get3A_89 = arith.index_cast %get3A_88 : i32 to index
      %get3A_90 = arith.constant 1008 : index
      %get3A_91 = tpu.vector_load %arg9[%get3A_89, %get3A_90] {strides = array<i32>} : memref<16x1024xf32, #tpu.memory_space<vmem>>, vector<16xf32>,
      %add3A = arith.addf %broadcast_in_dim3A_0, %get3A_91 : vector<16xf32>
      %get3A_92 = arith.constant 1 : i32
      %get3A_93 = arith.index_cast %get3A_92 : i32 to index
      %get3A_94 = arith.constant 1008 : index
      %get3A_95 = tpu.vector_load %arg9[%get3A_93, %get3A_94] {strides = array<i32>} : memref<16x1024xf32, #tpu.memory_space<vmem>>, vector<16xf32>,
      %add3A_96 = arith.addf %add3A, %get3A_95 : vector<16xf32>
      %get3A_97 = arith.constant 2 : i32
      %get3A_98 = arith.index_cast %get3A_97 : i32 to index
      %get3A_99 = arith.constant 1008 : index
      %get3A_100 = tpu.vector_load %arg9[%get3A_98, %get3A_99] {strides = array<i32>} : memref<16x1024xf32, #tpu.memory_space<vmem>>, vector<16xf32>,
      %add3A_101 = arith.addf %add3A_96, %get3A_100 : vector<16xf32>
      %get3A_102 = arith.constant 3 : i32
      %get3A_103 = arith.index_cast %get3A_102 : i32 to index
      %get3A_104 = arith.constant 1008 : index
      %get3A_105 = tpu.vector_load %arg9[%get3A_103, %get3A_104] {strides = array<i32>} : memref<16x1024xf32, #tpu.memory_space<vmem>>, vector<16xf32>,
      %add3A_106 = arith.addf %add3A_101, %get3A_105 : vector<16xf32>
      %get3A_107 = arith.constant 4 : i32
      %get3A_108 = arith.index_cast %get3A_107 : i32 to index
      %get3A_109 = arith.constant 1008 : index
      %get3A_110 = tpu.vector_load %arg9[%get3A_108, %get3A_109] {strides = array<i32>} : memref<16x1024xf32, #tpu.memory_space<vmem>>, vector<16xf32>,
      %add3A_111 = arith.addf %add3A_106, %get3A_110 : vector<16xf32>
      %get3A_112 = arith.constant 5 : i32
      %get3A_113 = arith.index_cast %get3A_112 : i32 to index
      %get3A_114 = arith.constant 1008 : index
      %get3A_115 = tpu.vector_load %arg9[%get3A_113, %get3A_114] {strides = array<i32>} : memref<16x1024xf32, #tpu.memory_space<vmem>>, vector<16xf32>,
      %add3A_116 = arith.addf %add3A_111, %get3A_115 : vector<16xf32>
      %get3A_117 = arith.constant 6 : i32
      %get3A_118 = arith.index_cast %get3A_117 : i32 to index
      %get3A_119 = arith.constant 1008 : index
      %get3A_120 = tpu.vector_load %arg9[%get3A_118, %get3A_119] {strides = array<i32>} : memref<16x1024xf32, #tpu.memory_space<vmem>>, vector<16xf32>,
      %add3A_121 = arith.addf %add3A_116, %get3A_120 : vector<16xf32>
      %get3A_122 = arith.constant 7 : i32
      %get3A_123 = arith.index_cast %get3A_122 : i32 to index
      %get3A_124 = arith.constant 1008 : index
      %get3A_125 = tpu.vector_load %arg9[%get3A_123, %get3A_124] {strides = array<i32>} : memref<16x1024xf32, #tpu.memory_space<vmem>>, vector<16xf32>,
      %add3A_126 = arith.addf %add3A_121, %get3A_125 : vector<16xf32>
      %get3A_127 = arith.constant 8 : i32
      %get3A_128 = arith.index_cast %get3A_127 : i32 to index
      %get3A_129 = arith.constant 1008 : index
      %get3A_130 = tpu.vector_load %arg9[%get3A_128, %get3A_129] {strides = array<i32>} : memref<16x1024xf32, #tpu.memory_space<vmem>>, vector<16xf32>,
      %add3A_131 = arith.addf %add3A_126, %get3A_130 : vector<16xf32>
      %get3A_132 = arith.constant 9 : i32
      %get3A_133 = arith.index_cast %get3A_132 : i32 to index
      %get3A_134 = arith.constant 1008 : index
      %get3A_135 = tpu.vector_load %arg9[%get3A_133, %get3A_134] {strides = array<i32>} : memref<16x1024xf32, #tpu.memory_space<vmem>>, vector<16xf32>,
      %add3A_136 = arith.addf %add3A_131, %get3A_135 : vector<16xf32>
      %get3A_137 = arith.constant 10 : i32
      %get3A_138 = arith.index_cast %get3A_137 : i32 to index
      %get3A_139 = arith.constant 1008 : index
      %get3A_140 = tpu.vector_load %arg9[%get3A_138, %get3A_139] {strides = array<i32>} : memref<16x1024xf32, #tpu.memory_space<vmem>>, vector<16xf32>,
      %add3A_141 = arith.addf %add3A_136, %get3A_140 : vector<16xf32>
      %get3A_142 = arith.constant 11 : i32
      %get3A_143 = arith.index_cast %get3A_142 : i32 to index
      %get3A_144 = arith.constant 1008 : index
      %get3A_145 = tpu.vector_load %arg9[%get3A_143, %get3A_144] {strides = array<i32>} : memref<16x1024xf32, #tpu.memory_space<vmem>>, vector<16xf32>,
      %add3A_146 = arith.addf %add3A_141, %get3A_145 : vector<16xf32>
      %get3A_147 = arith.constant 12 : i32
      %get3A_148 = arith.index_cast %get3A_147 : i32 to index
      %get3A_149 = arith.constant 1008 : index
      %get3A_150 = tpu.vector_load %arg9[%get3A_148, %get3A_149] {strides = array<i32>} : memref<16x1024xf32, #tpu.memory_space<vmem>>, vector<16xf32>,
      %add3A_151 = arith.addf %add3A_146, %get3A_150 : vector<16xf32>
      %get3A_152 = arith.constant 13 : i32
      %get3A_153 = arith.index_cast %get3A_152 : i32 to index
      %get3A_154 = arith.constant 1008 : index
      %get3A_155 = tpu.vector_load %arg9[%get3A_153, %get3A_154] {strides = array<i32>} : memref<16x1024xf32, #tpu.memory_space<vmem>>, vector<16xf32>,
      %add3A_156 = arith.addf %add3A_151, %get3A_155 : vector<16xf32>
      %get3A_157 = arith.constant 14 : i32
      %get3A_158 = arith.index_cast %get3A_157 : i32 to index
      %get3A_159 = arith.constant 1008 : index
      %get3A_160 = tpu.vector_load %arg9[%get3A_158, %get3A_159] {strides = array<i32>} : memref<16x1024xf32, #tpu.memory_space<vmem>>, vector<16xf32>,
      %add3A_161 = arith.addf %add3A_156, %get3A_160 : vector<16xf32>
      %get3A_162 = arith.constant 15 : i32
      %get3A_163 = arith.index_cast %get3A_162 : i32 to index
      %get3A_164 = arith.constant 1008 : index
      %get3A_165 = tpu.vector_load %arg9[%get3A_163, %get3A_164] {strides = array<i32>} : memref<16x1024xf32, #tpu.memory_space<vmem>>, vector<16xf32>,
      %add3A_166 = arith.addf %add3A_161, %get3A_165 : vector<16xf32>
      %reduce_sum3A_167 = arith.constant true
      %reduce_sum3A_168 = vector.broadcast %reduce_sum3A_167 : i1 to vector<16xi1>
      %reduce_sum3A_169 = tpu.scan <sum>, %scan3A_86#0 masked %reduce_sum3A_168 : vector<16xf32>, vector<16xi1> -> vector<16xf32>
      %reduce_sum3A_170 = vector.extract %reduce_sum3A_169[15] : f32 from vector<16xf32>
      %broadcast_in_dim3A_171 = vector.broadcast %reduce_sum3A_170 : f32 to vector<16xf32>
      %reduce_sum3A_172 = arith.constant true
      %reduce_sum3A_173 = vector.broadcast %reduce_sum3A_172 : i1 to vector<16xi1>
      %reduce_sum3A_174 = tpu.scan <sum>, %scan3A_86#1 masked %reduce_sum3A_173 : vector<16xf32>, vector<16xi1> -> vector<16xf32>
      %reduce_sum3A_175 = vector.extract %reduce_sum3A_174[15] : f32 from vector<16xf32>
      %broadcast_in_dim3A_176 = vector.broadcast %reduce_sum3A_175 : f32 to vector<16xf32>
      %slice3A_177 = vector.extract_strided_slice %add3A_166 {offsets = [0], sizes = [1], strides = [1]} : vector<16xf32> to vector<1xf32>
      %squeeze3A_178 = vector.extract %slice3A_177[0] : f32 from vector<1xf32>
      %broadcast_in_dim3A_179 = vector.broadcast %squeeze3A_178 : f32 to vector<16xf32>
      %slice3A_180 = vector.extract_strided_slice %add3A_166 {offsets = [1], sizes = [1], strides = [1]} : vector<16xf32> to vector<1xf32>
      %squeeze3A_181 = vector.extract %slice3A_180[0] : f32 from vector<1xf32>
      %broadcast_in_dim3A_182 = vector.broadcast %squeeze3A_181 : f32 to vector<16xf32>
      %div3A = arith.divf %broadcast_in_dim3A_171, %broadcast_in_dim3A_176 : vector<16xf32>
      %mul3A_183 = arith.mulf %div3A, %broadcast_in_dim3A_176 : vector<16xf32>
      %sub3A = arith.subf %broadcast_in_dim3A_171, %mul3A_183 : vector<16xf32>
      %div3A_184 = arith.divf %sub3A, %broadcast_in_dim3A_176 : vector<16xf32>
      %add3A_185 = arith.addf %div3A, %div3A_184 : vector<16xf32>
      %gt3A = arith.constant 0.000000e+00 : f32
      %gt3A_186 = vector.broadcast %gt3A : f32 to vector<16xf32>
      %gt3A_187 = arith.cmpf ogt, %broadcast_in_dim3A_182, %gt3A_186 : vector<16xf32>
      %div3A_188 = arith.divf %broadcast_in_dim3A_179, %broadcast_in_dim3A_182 : vector<16xf32>
      %mul3A_189 = arith.mulf %div3A_188, %broadcast_in_dim3A_182 : vector<16xf32>
      %sub3A_190 = arith.subf %broadcast_in_dim3A_179, %mul3A_189 : vector<16xf32>
      %div3A_191 = arith.divf %sub3A_190, %broadcast_in_dim3A_182 : vector<16xf32>
      %add3A_192 = arith.addf %div3A_188, %div3A_191 : vector<16xf32>
      %mul3A_193 = arith.constant 1.000000e-01 : f32
      %mul3A_194 = vector.broadcast %mul3A_193 : f32 to vector<16xf32>
      %mul3A_195 = arith.mulf %mul3A_194, %add3A_192 : vector<16xf32>
      %add3A_196 = arith.addf %add3A_185, %mul3A_195 : vector<16xf32>
      %select_n3A_197 = arith.select %gt3A_187, %add3A_196, %add3A_185 : vector<16xi1>, vector<16xf32>
      %swap3A_198 = arith.constant 0 : index
      %swap3A_199 = tpu.vector_load %arg10[%swap3A_198] {strides = array<i32>} : memref<16xf32, #tpu.memory_space<vmem>>, vector<16xf32>,
      tpu.vector_store %arg10[%swap3A_198], %select_n3A_197 {strides = array<i32>} : memref<16xf32, #tpu.memory_space<vmem>>, vector<16xf32>,
      "tpu.region"() ({
        %run_scoped3A = tpu.sem_alloc : memref<!tpu.dma_semaphore, #tpu.memory_space<semaphore_mem>>
        tpu.enqueue_dma source(%arg10 : memref<16xf32, #tpu.memory_space<vmem>>) target(%arg4 : memref<16xf32, #tpu.memory_space<hbm>>) target_semaphore(%run_scoped3A : memref<!tpu.dma_semaphore, #tpu.memory_space<semaphore_mem>>)
        tpu.wait_dma2 semaphore(%run_scoped3A : memref<!tpu.dma_semaphore, #tpu.memory_space<semaphore_mem>>) src(%arg10 : memref<16xf32, #tpu.memory_space<vmem>>) dst(%arg4 : memref<16xf32, #tpu.memory_space<hbm>>)
        tpu.yield
      }) : () -> ()
    } else {
    }
    return
  }
}

</mosaic_0001>

<sc_bundles>
// kernel: _sc_loss.3.cloned.1.call-start
scs
__scs_entry_jumppad:
0x0: {  	(pc) =	sbr.rel $0x88, $3  }
0x1: {  	(tag) =	ssettag $0x0;
	lr =	simm.s32 $0x1  }
0x2: {  	[smem:$0x3F9F] =	sst lr;
	_ =	strace $0xD0000000  }
0x3: {  	_ = 	snop  }
0x4: {  	_ = 	snop  }
0x5: {  	_ = 	snop  }
0x6: {  	_ = 	snop  }
0x7: {  	_ = 	snop  }
__scs_overlays_trampoline_lowered:
0x8: {  	[smem:$0x3FAE] =	sst s0  }
0x9: {  	[smem:$0x3FAF] =	sst s1  }
0xa: {  	[smem:$0x3FB0] =	sst s2  }
0xb: {  	[smem:$0x3FB1] =	sst s3  }
0xc: {  	[smem:$0x3FB2] =	sst s4  }
0xd: {  	[smem:$0x3FB3] =	sst s5  }
0xe: {  	[smem:$0x3FB4] =	sst s6  }
0xf: {  	[smem:$0x3FB5] =	sst s7  }
0x10: {  	[smem:$0x3FB6] =	sst s8  }
0x11: {  	[smem:$0x3FB7] =	sst s9;
	s0 =	simm.s32 @!p0 $0x0  }
0x12: {  	s1 =	sld [smem:$0x3F9D];
	s0 =	simm.s32 @p0 $0x1  }
0x13: {  	[smem:$0x3FB8] =	sst s0;
	s0 =	simm.s32 @!p1 $0x0  }
0x14: {  	s2 =	sld [smem:$0x3F9C];
	s0 =	simm.s32 @p1 $0x1  }
0x15: {  	[smem:$0x3FB9] =	sst s0;
	s0 =	simm.s32 @!p2 $0x0  }
0x16: {  	s3 =	sld [smem:$0x3FDB];
	s0 =	simm.s32 @p2 $0x1  }
0x17: {  	s4 =	simm.s32 $0x1BF5;
	[smem:$0x3FBB] =	sst s0  }
0x18: {  	s0 =	sld [smem:$0x3F9E];
	_ =	swait.ge [sflag:s4], $0x0  }
0x19: {  	s7 =	sld [smem:$0x3F9F]  }
0x1a: {  	s8 =	sadd.s32 $0xFFFFE003, lr  }
0x1b: {  	s9 =	sadd.s32 $0xFFFFFEF7, lr;
	s5 =	simm.s32 $0xFFFFFFFF;
	p2 =	slt.u32 s8, $0xFFFFF086  }
0x1c: {  	p1 =	slt.u32 s9, $0xF7A;
	s5 =	simm.s32 @!p2 $0x0  }
0x1d: {  	s5 =	simm.s32 @p1 $0x1;
	p0 =	seq.s32 s7, s2  }
0x1e: {  	s7 =	smul.u32 @!p0 $0xF7A, s2;
	p2 =	seq.s32 @!p0 s5, $0x0  }
0x1f: {  	s9 =	smul.u32 $0xF7A, s1;
	s8 =	simm.s32 @!p0 $0x1BF5;
	p2 =	por !p2, p0  }
0x20: {  	[sflag:s8] =	ssyncset.s32 @!p0 $0xFFFFF086;
	s6 =	sadd.s32 @!p0 s3, s7;
	s7 =	simm.s32 @!p0 $0x108  }
0x21: {  	s3 =	sadd.s32 s3, s9;
	s6 =	sadd.s32 @!p0 $0x88, s6;
	s7 =	simm.s32 @p2 $0x1082  }
0x22: {  	[simem:s7], [sflag:s8] =	dma.local @!p0 [hbm:s6], $0xF7A  }
0x23: {  	s9 =	sor.u32 $0xD0000000, s2;
	s6 =	simm.s32 $0x108;
	_ =	swait.ge @!p0 [sflag:s8], $0x0  }
0x24: {  	s3 =	sadd.s32 $0x88, s3;
	s6 =	simm.s32 @!p1 $0x1082;
	[sflag:s4] =	ssyncset.s32 $0xFFFFF086  }
0x25: {  	[simem:s6], [sflag:s4] =	dma.local [hbm:s3], $0xF7A  }
0x26: {  	[smem:$0x3F9F] =	sst s1;
	(tag) =	ssettag s2;
	_ =	strace s9  }
0x27: {  	s1 =	sld [smem:$0x3FAF]  }
0x28: {  	s2 =	sld [smem:$0x3FB0]  }
0x29: {  	s4 =	sld [smem:$0x3FB2]  }
0x2a: {  	p0 =	seq.s32 s5, $0x0;
	s5 =	sld [smem:$0x3FB3]  }
0x2b: {  	s6 =	sld [smem:$0x3FB4]  }
0x2c: {  	s7 =	sld [smem:$0x3FB5]  }
0x2d: {  	s3 =	simm.s32 $0x108;
	s8 =	sld [smem:$0x3FB6]  }
0x2e: {  	s3 =	simm.s32 @!p0 $0x1082;
	s9 =	sld [smem:$0x3FB7]  }
0x2f: {  	lr =	sadd.s32 s0, s3;
	s0 =	sld [smem:$0x3FAE]  }
0x30: {  	s3 =	sld [smem:$0x3FB1]  }
0x31: {  	[smem:$0x3FBA] =	sst s10  }
0x32: {  	s10 =	sld [smem:$0x3FB8];
	_ =	sdelay $0x3  }
0x33: {  	p0 =	seq.s32 s10, $0x1;
	s10 =	sld [smem:$0x3FBA];
	_ =	sdelay $0x3  }
0x34: {  	[smem:$0x3FBA] =	sst s10  }
0x35: {  	s10 =	sld [smem:$0x3FB9];
	_ =	sdelay $0x3  }
0x36: {  	p1 =	seq.s32 s10, $0x1;
	s10 =	sld [smem:$0x3FBA];
	_ =	sdelay $0x3  }
0x37: {  	[smem:$0x3FBA] =	sst s10  }
0x38: {  	s10 =	sld [smem:$0x3FBB]  }
0x39: {  	_ = 	snop;
	(pc) =	sbr.ind lr, $3  }
0x3a: {  	_ = 	snop  }
0x3b: {  	_ = 	snop  }
0x3c: {  	p2 =	seq.s32 s10, $0x1;
	s10 =	sld [smem:$0x3FBA]  }
0x3d: {  	_ =	shalt  }
0x3e: {  	_ =	shalt  }
0x3f: {  	_ =	shalt  }
0x40: {  	_ =	shalt  }
0x41: {  	_ =	shalt  }
0x42: {  	_ =	shalt  }
0x43: {  	_ =	shalt  }
0x44: {  	_ =	shalt  }
0x45: {  	_ =	shalt  }
0x46: {  	_ =	shalt  }
0x47: {  	_ =	shalt  }
0x48: {  	_ =	shalt  }
0x49: {  	_ =	shalt  }
0x4a: {  	_ =	shalt  }
0x4b: {  	_ =	shalt  }
0x4c: {  	_ =	shalt  }
0x4d: {  	_ =	shalt  }
0x4e: {  	_ =	shalt  }
0x4f: {  	_ =	shalt  }
0x50: {  	_ =	shalt  }
0x51: {  	_ =	shalt  }
0x52: {  	_ =	shalt  }
0x53: {  	_ =	shalt  }
0x54: {  	_ =	shalt  }
0x55: {  	_ =	shalt  }
0x56: {  	_ =	shalt  }
0x57: {  	_ =	shalt  }
0x58: {  	_ =	shalt  }
0x59: {  	_ =	shalt  }
0x5a: {  	_ =	shalt  }
0x5b: {  	_ =	shalt  }
0x5c: {  	_ =	shalt  }
0x5d: {  	_ =	shalt  }
0x5e: {  	_ =	shalt  }
0x5f: {  	_ =	shalt  }
0x60: {  	_ =	shalt  }
0x61: {  	_ =	shalt  }
0x62: {  	_ =	shalt  }
0x63: {  	_ =	shalt  }
0x64: {  	_ =	shalt  }
0x65: {  	_ =	shalt  }
0x66: {  	_ =	shalt  }
0x67: {  	_ =	shalt  }
0x68: {  	_ =	shalt  }
0x69: {  	_ =	shalt  }
0x6a: {  	_ =	shalt  }
0x6b: {  	_ =	shalt  }
0x6c: {  	_ =	shalt  }
0x6d: {  	_ =	shalt  }
0x6e: {  	_ =	shalt  }
0x6f: {  	_ =	shalt  }
0x70: {  	_ =	shalt  }
0x71: {  	_ =	shalt  }
0x72: {  	_ =	shalt  }
0x73: {  	_ =	shalt  }
0x74: {  	_ =	shalt  }
0x75: {  	_ =	shalt  }
0x76: {  	_ =	shalt  }
0x77: {  	_ =	shalt  }
0x78: {  	_ =	shalt  }
0x79: {  	_ =	shalt  }
0x7a: {  	_ =	shalt  }
0x7b: {  	_ =	shalt  }
0x7c: {  	_ =	shalt  }
0x7d: {  	_ =	shalt  }
0x7e: {  	_ =	shalt  }
0x7f: {  	_ =	shalt  }
0x80: {  	_ =	shalt  }
0x81: {  	_ =	shalt  }
0x82: {  	_ =	shalt  }
0x83: {  	_ =	shalt  }
0x84: {  	_ =	shalt  }
0x85: {  	_ =	shalt  }
0x86: {  	_ =	shalt  }
0x87: {  	_ =	shalt  }
.Lfunc_end0:
.L_simem_size_0:
called_computation_lowered:
.L_overlay_start_0:
0x88: {  	s0 =	sld [smem:$0x3FD9]  }
0x89: {  	s1 =	sld [smem:$0x3FFE];
	_ =	sdelay $0x3  }
0x8a: {  	s0 =	sadd.s32 s1, s0  }
0x8b: {  	[smem:$0x3FC6] =	sst s0  }
0x8c: {  	_ = 	snop  }
0x8d: {  	s0 =	sld [smem:$0x3FC9]  }
0x8e: {  	s17 =	sld [smem:$0x3FC8]  }
0x8f: {  	s2 =	sld [smem:$0x3FD0];
	(tm) =	ssettm $0x1  }
0x90: {  	s3 =	sld [smem:$0x3FFB];
	_ =	sdelay $0x3  }
0x91: {  	_ =	strace s3  }
0x92: {  	s3 =	sld [smem:$0x3FFC];
	_ =	sdelay $0x3  }
0x93: {  	_ =	strace s3  }
0x94: {  	s3 =	sld [smem:$0x3FFD];
	_ =	sdelay $0x3  }
0x95: {  	_ =	strace s3  }
0x96: {  	_ =	strace $0x8FFFFFFF  }
0x97: {  	s18 =	sld [smem:$0x3FDB];
	_ =	sdelay $0x1  }
0x98: {  	s4 =	simm.s32 $_scs_section_size  }
0x99: {  	s5 =	simm.s32 $_size__tile_overlayer_lowered;
	s6 =	simm.s32 $_tile_overlayer_lowered  }
0x9a: {  	s21 =	simm.s32 $0x1BFF;
	s20 =	sshll.u32 s6, $0x1;
	s3 =	sadd.s32 s4, s18  }
0x9b: {  	s7 =	simm.s32 $0x0;
	s19 =	sshll.u32 s5, $0x1;
	s5 =	sadd.s32 s20, s3  }
0x9c: {  	[timem:s7], [sflag:s21] =	dma.local [hbm:s5], s19  }
0x9d: {  	_ =	swait.ge [sflag:s21], s19  }
0x9e: {  	s4 =	ssub.s32 $0x0, s19;
	[sflag:s21] =	ssyncset.done $0x0  }
0x9f: {  	[sflag:s21] =	ssyncadd.s32 s4;
	_ =	sdelay $0x1  }
0xa0: {  	s22 =	simm.s32 $0x1B8B  }
0xa1: {  	_ =	swait.ge [sflag:s22], $0x1  }
0xa2: {  	[sflag:s22] =	ssyncset.done $0x0  }
0xa3: {  	s23 =	simm.s32 $0x1B8E;
	[sflag:s22] =	ssyncadd.s32 $0xFFFFFFFF  }
0xa4: {  	s24 =	simm.s32 $execute0_lowered;
	[smem:$0x3FD2] =	sst s23  }
0xa5: {  	s4 =	sshll.u32 s24, $0x1;
	_ =	strace $0x80000046;
	[dreg:$0x1] =	wrdreg $0xFFFFFFFF  }
0xa6: {  	s25 =	simm.s32 $_size_execute0_lowered;
	s3 =	sadd.s32 s3, s4;
	[dreg:$0x0] =	wrdreg $0x0  }
0xa7: {  	s4 =	sshll.u32 s25, $0x1;
	[dreg:$0x2] =	wrdreg s3  }
0xa8: {  	[dreg:$0x3] =	wrdreg s4  }
0xa9: {  	[dreg:$0x4] =	wrdreg $0xC0  }
0xaa: {  	_ =	task [dreg:s7], $0x5FFFF  }
0xab: {  	[dreg:$0x1] =	wrdreg $0xFFFFFFFF  }
0xac: {  	[dreg:$0x0] =	wrdreg $0x60  }
0xad: {  	[dreg:$0x2] =	wrdreg s0  }
0xae: {  	[dreg:$0x3] =	wrdreg s17  }
0xaf: {  	[dreg:$0x4] =	wrdreg s2  }
0xb0: {  	[dreg:$0x5] =	wrdreg $0x9D800  }
0xb1: {  	[dreg:$0x6] =	wrdreg $0x9  }
0xb2: {  	_ =	task.clear_ibuf [dreg:s7], $0x7FFFF;
	_ =	strace $0x90000046  }
0xb3: {  	s26 =	simm.s32 $0x9;
	_ =	strace $0x80000048  }
0xb4: {  	_ =	swait.ge [sflag:s26], $0x1  }
0xb5: {  	[sflag:s26] =	ssyncadd.s32 $0xFFFFFFFF  }
0xb6: {  	_ =	strace $0x90000048  }
0xb7: {  	_ =	sfence  }
0xb8: {  	s28 =	sld [smem:$0x0];
	_ =	sdelay $0x1  }
0xb9: {  	s29 =	srdreg.scid  }
0xba: {  	s30 =	sshll.u32 s29, $0xD;
	s31 =	sshrl.u32 s29, $0x2  }
0xbb: {  	s1 =	sand.u32 $0x1, s29;
	s2 =	sand.u32 $0x4000, s30;
	s0 =	sadd.s32 s31, s28  }
0xbc: {  	s1 =	sor.u32 s2, s1;
	s0 =	sshll.u32 s0, $0x11  }
0xbd: {  	s0 =	sor.u32 s0, s1  }
0xbe: {  	s0 =	sadd.s32 $0x8F2B, s0  }
0xbf: {  	[sflag:s0] =	ssyncadd.remote.s32 $0x1  }
0xc0: {  	_ =	sfence.sel $0xFFFF  }
0xc1: {  	[dreg:$0x0] =	wrdreg $0xFFFFFFFF;
	(pc) =	sbr.abs _section_cstart, $3  }
0xc2: {  	[dreg:$0x1] =	wrdreg $0xFFFFFFFF  }
0xc3: {  	_ =	task.clear_ibuf [dreg:s7], $0x2FFFF;
	_ =	strace $0x9FFFFFFF  }
0xc4: {  	(tm) =	ssettm $0x7FFFFFFF  }
0xc5: {  	_ =	shalt  }
tec
execute0_lowered:
.L_overlay_start_1:
0x0: {  	(tag) =	ssettag $0x1  }
0x1: {  	s4 =	rddreg [dreg:$0x0]  }
0x2: {  	s5 =	rddreg [dreg:$0x1]  }
0x3: {  	s1 =	rddreg [dreg:$0x2];
	s3 =	stileid.u32  }
0x4: {  	s2 =	rddreg [dreg:$0x3];
	s6 =	smul.u32 $0x188, s3  }
0x5: {  	s0 =	rddreg [dreg:$0x4];
	s7 =	simm.s32 $0x0;
	p0 =	sne.s32 s3, $0xF  }
0x6: {  	[smem:$0x7FF] =	sst s7;
	s6 =	simm.s32 @!p0 $0x16E2  }
0x7: {  	s31 =	simm.s32 $0xC80;
	_ =	strace $0x80000047;
	s4 =	sadd.s32 s4, s6  }
0x8: {  	[tilespmem:s7], [sflag:$0x1] =	stream.linear.gather [hbm4b:s4+s7], $0xC40, $0x38;
	[tilespmem:$0xA180] =	vst v63  }
0x9: {  	s30 =	sadd.s32 s5, s6;
	s5 =	simm.s32 $0x400;
	s4 =	simm.s32 $0x0  }
0xa: {  	v0 =	vimm.f32 $-1.000000000e+00;
	[tilespmem:s31], [sflag:$0x1] =	stream.linear.gather [hbm4b:s30+s7], $0xC40, $0x38;
	[tilespmem:$0xA180] =	vst v63  }
.LBB2_1:
0xb: {  	p1 =	sne.s32 s5, $0xFC00;
	[tilespmem:s4+$0x19F0] =	vst v0  }
0xc: {  	[tilespmem:s4+$0x1900] =	vst v0  }
0xd: {  	[tilespmem:s4+$0x1910] =	vst v0  }
0xe: {  	[tilespmem:s4+$0x1920] =	vst v0  }
0xf: {  	[tilespmem:s4+$0x1930] =	vst v0  }
0x10: {  	[tilespmem:s4+$0x1940] =	vst v0  }
0x11: {  	[tilespmem:s4+$0x1950] =	vst v0  }
0x12: {  	[tilespmem:s4+$0x1960] =	vst v0  }
0x13: {  	[tilespmem:s4+$0x1970] =	vst v0  }
0x14: {  	[tilespmem:s4+$0x1980] =	vst v0  }
0x15: {  	[tilespmem:s4+$0x1990] =	vst v0  }
.Ltmp0:
0x16: {  	[tilespmem:s4+$0x19A0] =	vst v0;
	(pc) =	sbr.rel @p1 .LBB2_1-.Ltmp0, $4  }
0x17: {  	[tilespmem:s4+$0x19B0] =	vst v0  }
0x18: {  	[tilespmem:s4+$0x19C0] =	vst v0  }
0x19: {  	[tilespmem:s4+$0x19D0] =	vst v0  }
0x1a: {  	[tilespmem:s4+$0x19E0] =	vst v0;
	s4 =	sshra.s32 s5, $0x2;
	s5 =	sadd.s32 $0x400, s5  }
0x1b: {  	[tilespmem:s4+$0x19F0] =	vst v0  }
0x1c: {  	[tilespmem:s4+$0x1900] =	vst v0  }
0x1d: {  	[tilespmem:s4+$0x1910] =	vst v0  }
0x1e: {  	[tilespmem:s4+$0x1920] =	vst v0  }
0x1f: {  	[tilespmem:s4+$0x1930] =	vst v0  }
0x20: {  	[tilespmem:s4+$0x1940] =	vst v0  }
0x21: {  	[tilespmem:s4+$0x1950] =	vst v0  }
0x22: {  	[tilespmem:s4+$0x1960] =	vst v0  }
0x23: {  	[tilespmem:s4+$0x1970] =	vst v0  }
0x24: {  	[tilespmem:s4+$0x1980] =	vst v0  }
0x25: {  	[tilespmem:s4+$0x1990] =	vst v0  }
0x26: {  	[tilespmem:s4+$0x19A0] =	vst v0  }
0x27: {  	[tilespmem:s4+$0x19B0] =	vst v0  }
0x28: {  	[tilespmem:s4+$0x19C0] =	vst v0  }
0x29: {  	[tilespmem:s4+$0x19D0] =	vst v0  }
0x2a: {  	[tilespmem:s4+$0x19E0] =	vst v0;
	s31 =	simm.s32 $0x1  }
0x2b: {  	_ =	swait.ge [sflag:s31], $0xC40  }
0x2c: {  	[sflag:s31] =	ssyncset.done $0x0  }
0x2d: {  	[sflag:s31] =	ssyncadd.s32 $0xFFFFF3C0  }
0x2e: {  	_ =	swait.ge [sflag:s31], $0xC40  }
0x2f: {  	[sflag:s31] =	ssyncset.done $0x0  }
0x30: {  	[sflag:s31] =	ssyncadd.s32 $0xFFFFF3C0  }
0x31: {  	v0 =	vld [tilespmem:$0xC80];
	_ =	sdelay $0x1  }
0x32: {  	v1 =	vlaneseq.u32  }
0x33: {  	v3 =	vmul.u32 $0x400, v1;
	_ =	sdelay $0x1  }
0x34: {  	v1 =	vadd.s32 v3, v0;
	_ =	sdelay $0x3  }
0x35: {  	s4 =	simm.s32 $0x1900;
	v2 =	vld [tilespmem:$0x0]  }
0x36: {  	s5 =	simm.s32 $0xC90;
	v4 =	vld.idx.msk [tilespmem:v1+s4+$0x0], $0xffff  }
0x37: {  	v6 =	vld [tilespmem:s5+$0x0];
	_ =	sdelay $0x3  }
0x38: {  	s5 =	simm.s32 $0x10;
	v5 =	vmax.f32 v4, v2  }
0x39: {  	vm0 =	vmxor vm0, vm0;
	p1 =	por $0x0, $0x0;
	v4 =	vld [tilespmem:s5+$0x0];
	[tilespmem:v1+s4+$0x0] =	vst.idx.msk $0xffff, v5;
	v5 =	vadd.s32 v3, v6  }
0x3a: {  	p1 =	por p0, p1;
	vm1 =	vmmov vm0  }
0x3b: {  	p5 =	por $0x0, $0x0;
	s6 =	simm.s32 $0xCA0;
	vm1 =	vmneg @p1 vm1;
	vm2 =	veq.s32 v0, $0x0  }
0x3c: {  	p1 =	por p0, p5;
	v0 =	vimm.f32 $0.0e+00;
	vm1 =	vmand vm2, vm1;
	vm2 =	vmmov vm0;
	v8 =	vld [tilespmem:s6+$0x0]  }
0x3d: {  	vm3 =	veq.s32 v6, $0x0;
	vm2 =	vmneg @p1 vm2;
	v1 =	vsel vm1, $0x3F800000, v0  }
0x3e: {  	p6 =	por $0x0, $0x0;
	vm2 =	vmand vm3, vm2;
	v2 =	vnsel vm1, $0x0, v2;
	v1 =	vadd.f32 v1, v0;
	v7 =	vld.idx.msk [tilespmem:v5+s4+$0x0], $0xffff  }
0x3f: {  	p1 =	por p0, p6;
	v2 =	vadd.f32 v2, v0;
	v6 =	vsel vm2, $0x3F800000, v0;
	vm1 =	vmmov vm0  }
0x40: {  	vm1 =	vmneg @p1 vm1;
	v1 =	vadd.f32 v6, v1;
	v9 =	vnsel vm2, $0x0, v4  }
0x41: {  	s7 =	simm.s32 $0x0;
	s8 =	simm.s32 $0x3;
	v2 =	vadd.f32 v9, v2;
	v6 =	vadd.s32 v3, v8;
	vm2 =	veq.s32 v8, $0x0  }
.LBB2_3:
0x42: {  	p1 =	sne.s32 s8, $0xC3;
	vm2 =	vmand vm2, vm1  }
0x43: {  	v7 =	vmax.f32 v7, v4;
	s5 =	sadd.s32 $0x10, s5;
	v8 =	vsel vm2, $0x3F800000, v0  }
0x44: {  	s6 =	sadd.s32 $0x10, s6;
	v1 =	vadd.f32 v8, v1;
	v4 =	vld [tilespmem:s5+$0x0];
	[tilespmem:v5+s4+$0x0] =	vst.idx.msk $0xffff, v7;
	v5 =	vmov v6  }
0x45: {  	v8 =	vld [tilespmem:s6+$0x0]  }
.Ltmp1:
0x46: {  	v7 =	vld.idx.msk [tilespmem:v6+s4+$0x0], $0xffff;
	(pc) =	sbr.rel @p1 .LBB2_3-.Ltmp1, $4  }
0x47: {  	p2 =	sgt.u32 s8, $0xA  }
0x48: {  	vm1 =	vmmov vm0;
	p2 =	por p0, p2  }
0x49: {  	vm1 =	vmneg @p2 vm1;
	v9 =	vnsel vm2, $0x0, v4  }
0x4a: {  	s8 =	sadd.s32 $0x1, s8;
	v6 =	vadd.s32 v3, v8;
	vm2 =	veq.s32 v8, $0x0;
	v2 =	vadd.f32 v9, v2  }
0x4b: {  	_ =	sdelay $0x2  }
0x4c: {  	s5 =	sadd.s32 $0x10, s5;
	v3 =	vmax.f32 v7, v4  }
0x4d: {  	s29 =	simm.s32 $0x1900;
	v52 =	vld [tilespmem:s5+$0x0];
	[tilespmem:v5+s4+$0x0] =	vst.idx.msk $0xffff, v3  }
0x4e: {  	v3 =	vld.idx.msk [tilespmem:v6+s29+$0x0], $0xffff;
	_ =	sdelay $0x4  }
0x4f: {  	v3 =	vmax.f32 v3, v52  }
0x50: {  	s30 =	sand.u32 $0x3F0, s7;
	[tilespmem:v6+s29+$0x0] =	vst.idx.msk $0xffff, v3  }
0x51: {  	v3 =	vld [tilespmem:s30+$0x1D00]  }
0x52: {  	v5 =	vld [tilespmem:s29+$0x0]  }
0x53: {  	v6 =	vld [tilespmem:s30+$0x2100]  }
0x54: {  	v53 =	vld [tilespmem:s30+$0x2500]  }
0x55: {  	v8 =	vld [tilespmem:s30+$0x2900]  }
0x56: {  	v9 =	vld [tilespmem:s30+$0x2D00]  }
0x57: {  	v54 =	vld [tilespmem:s30+$0x3100];
	v3 =	vmax.f32 v5, v3  }
0x58: {  	v55 =	vld [tilespmem:s30+$0x3500];
	v3 =	vmax.f32 v3, v6  }
0x59: {  	v56 =	vld [tilespmem:s30+$0x3900];
	v3 =	vmax.f32 v3, v53  }
0x5a: {  	v57 =	vld [tilespmem:s30+$0x3D00];
	v3 =	vmax.f32 v3, v8  }
0x5b: {  	v58 =	vld [tilespmem:s30+$0x4100];
	v3 =	vmax.f32 v3, v9  }
0x5c: {  	v59 =	vld [tilespmem:s30+$0x4500];
	v3 =	vmax.f32 v3, v54  }
0x5d: {  	v60 =	vld [tilespmem:s30+$0x4900];
	v3 =	vmax.f32 v3, v55  }
0x5e: {  	v61 =	vld [tilespmem:s30+$0x4D00];
	v3 =	vmax.f32 v3, v56  }
0x5f: {  	v62 =	vld [tilespmem:s30+$0x5100];
	v3 =	vmax.f32 v3, v57  }
0x60: {  	v63 =	vld [tilespmem:s30+$0x5500];
	v3 =	vmax.f32 v3, v58  }
0x61: {  	v3 =	vmax.f32 v3, v59  }
0x62: {  	v3 =	vmax.f32 v3, v60  }
0x63: {  	v3 =	vmax.f32 v3, v61  }
0x64: {  	v3 =	vmax.f32 v3, v62  }
0x65: {  	vm0 =	vmand vm2, vm1;
	s31 =	simm.s32 $0x10;
	s4 =	simm.s32 $0x5900;
	v3 =	vmax.f32 v3, v63  }
0x66: {  	v0 =	vsel vm0, $0x3F800000, v0;
	s5 =	sand.u32 $0x3F0, s31;
	v4 =	vnsel vm0, $0x0, v52;
	[tilespmem:s4+$0x0] =	vst v3  }
0x67: {  	s7 =	simm.s32 $0x20;
	s6 =	simm.s32 $0x1910;
	v0 =	vadd.f32 v0, v1;
	v1 =	vadd.f32 v4, v2;
	v2 =	vld [tilespmem:s5+$0x1D00]  }
.LBB2_5:
0x68: {  	p0 =	sne.s32 s7, $0x3F0;
	v3 =	vld [tilespmem:s6+$0x0]  }
0x69: {  	v4 =	vld [tilespmem:s5+$0x2100]  }
0x6a: {  	v5 =	vld [tilespmem:s5+$0x2500]  }
0x6b: {  	v6 =	vld [tilespmem:s5+$0x2900]  }
0x6c: {  	v7 =	vld [tilespmem:s5+$0x2D00]  }
0x6d: {  	v2 =	vmax.f32 v3, v2;
	v3 =	vld [tilespmem:s5+$0x3100]  }
0x6e: {  	v2 =	vmax.f32 v2, v4;
	v4 =	vld [tilespmem:s5+$0x3500]  }
0x6f: {  	v2 =	vmax.f32 v2, v5;
	v5 =	vld [tilespmem:s5+$0x3900]  }
0x70: {  	v2 =	vmax.f32 v2, v6;
	v6 =	vld [tilespmem:s5+$0x3D00]  }
0x71: {  	v2 =	vmax.f32 v2, v7;
	v7 =	vld [tilespmem:s5+$0x4100]  }
0x72: {  	v2 =	vmax.f32 v2, v3;
	v3 =	vld [tilespmem:s5+$0x4500]  }
0x73: {  	v2 =	vmax.f32 v2, v4;
	v4 =	vld [tilespmem:s5+$0x4900]  }
0x74: {  	v2 =	vmax.f32 v2, v5;
	v5 =	vld [tilespmem:s5+$0x4D00]  }
0x75: {  	v2 =	vmax.f32 v2, v6;
	v6 =	vld [tilespmem:s5+$0x5100]  }
0x76: {  	v2 =	vmax.f32 v2, v7;
	v7 =	vld [tilespmem:s5+$0x5500]  }
0x77: {  	v2 =	vmax.f32 v2, v3  }
0x78: {  	v2 =	vmax.f32 v2, v4  }
.Ltmp2:
0x79: {  	v2 =	vmax.f32 v2, v5;
	(pc) =	sbr.rel @p0 .LBB2_5-.Ltmp2, $4  }
0x7a: {  	v2 =	vmax.f32 v2, v6  }
0x7b: {  	s4 =	sadd.s32 $0x10, s4;
	v2 =	vmax.f32 v2, v7  }
0x7c: {  	s5 =	sand.u32 $0x3F0, s7;
	[tilespmem:s4+$0x0] =	vst v2  }
0x7d: {  	s6 =	sadd.s32 $0x10, s6;
	s7 =	sadd.s32 $0x10, s7;
	v2 =	vld [tilespmem:s5+$0x1D00]  }
0x7e: {  	v3 =	vld [tilespmem:s6+$0x0]  }
0x7f: {  	v4 =	vld [tilespmem:s5+$0x2100]  }
0x80: {  	v5 =	vld [tilespmem:s5+$0x2500]  }
0x81: {  	v6 =	vld [tilespmem:s5+$0x2900]  }
0x82: {  	v7 =	vld [tilespmem:s5+$0x2D00]  }
0x83: {  	v47 =	vld [tilespmem:s5+$0x3100];
	(xrf2) =	vadd.scan.msk.f32 $0xffff, v1;
	v2 =	vmax.f32 v3, v2  }
0x84: {  	v49 =	vld [tilespmem:s5+$0x3500];
	(xrf2) =	vadd.scan.msk.f32 $0xffff, v0;
	v48 =	vmax.f32 v2, v4  }
0x85: {  	v51 =	vld [tilespmem:s5+$0x3900];
	v50 =	vmax.f32 v48, v5  }
0x86: {  	v52 =	vld [tilespmem:s5+$0x3D00];
	v0 =	vmax.f32 v50, v6  }
0x87: {  	v53 =	vld [tilespmem:s5+$0x4100];
	v0 =	vmax.f32 v0, v7  }
0x88: {  	v54 =	vld [tilespmem:s5+$0x4500];
	v0 =	vmax.f32 v0, v47  }
0x89: {  	v55 =	vld [tilespmem:s5+$0x4900];
	v0 =	vmax.f32 v0, v49  }
0x8a: {  	v56 =	vld [tilespmem:s5+$0x4D00];
	v0 =	vmax.f32 v0, v51  }
0x8b: {  	v57 =	vld [tilespmem:s5+$0x5100];
	v0 =	vmax.f32 v0, v52  }
0x8c: {  	v58 =	vld [tilespmem:s5+$0x5500];
	v0 =	vmax.f32 v0, v53  }
0x8d: {  	v59, _, _ =	vpop (xrf2);
	v0 =	vmax.f32 v0, v54  }
0x8e: {  	v60, _, _ =	vpop (xrf2);
	v0 =	vmax.f32 v0, v55  }
0x8f: {  	v61 =	vbroadcast v60, $0xF;
	v0 =	vmax.f32 v0, v56  }
0x90: {  	s26 =	sshll.u32 s3, $0xA;
	s28 =	sshll.u32 s3, $0x7;
	vm0 =	vcmask $0x704;
	v62 =	vbroadcast v59, $0xF;
	v0 =	vmax.f32 v0, v57  }
0x91: {  	s4 =	sadd.s32 $0x10, s4;
	vm15 =	vcmask $0x3F04;
	s30 =	simm.s32 $0x80;
	s5 =	sand.u32 $0x2000, s26;
	v1 =	vnsel vm0, $0x0, v61;
	v0 =	vmax.f32 v0, v58  }
0x92: {  	s31 =	simm.s32 $0x400;
	s6 =	sand.u32 $0x380, s28;
	s5 =	sadd.s32 s5, s2;
	v63 =	vsel vm15, v1, v62;
	[tilespmem:s4+$0x0] =	vst v0  }
0x93: {  	s7 =	simm.s32 $0x5900;
	s29 =	sadd.s32 s6, s5;
	s4 =	simm.s32 $0x2;
	[tilespmem:$0x5CF0] =	vst v63  }
0x94: {  	[spmem:s29] =	stream.strided.scatter [tilespmem:s7], [sflag:$0x2], $0x400, s31, s30, $0x38;
	[tilespmem:$0xA180] =	vst v63  }
0x95: {  	_ =	swait.ge [sflag:s4], $0x400  }
0x96: {  	[sflag:s4] =	ssyncset.done $0x0  }
0x97: {  	[sflag:s4] =	ssyncadd.s32 $0xFFFFFC00  }
0x98: {  	p0 =	sne.s32 s3, $0x0;
	[bflag:$0x0] =	sbarrier.arrive $0xFFFF  }
0x99: {  	_ =	sfence.sel @p0 $0x180000  }
0x9a: {  	[bflag:$0x0] =	sbarrier.arrive @p0 $0xFFFF  }
0x9b: {  	_ =	strace @p0 $0x90000047  }
0x9c: {  	[bflag:$0x2] =	sbarrier.arrive @p0 $0xFFFF  }
0x9d: {  	_ =	shalt @p0  }
.LBB2_7:
0x9e: {  	s3 =	simm.s32 $0x5D00  }
0x9f: {  	[tilespmem:s3], [sflag:$0x2] =	stream.linear.gather [spmem:s2], $0x4000, $0x38;
	[tilespmem:$0xA180] =	vst v63  }
0xa0: {  	_ =	swait.ge [sflag:s4], $0x4000  }
0xa1: {  	s2 =	simm.s32 $0x0;
	[sflag:s4] =	ssyncset.done $0x0  }
0xa2: {  	s28 =	sand.u32 $0x70, s2;
	s29 =	sand.u32 $0x1C00, s2;
	[sflag:s4] =	ssyncadd.s32 $0xFFFFC000  }
0xa3: {  	s7 =	sor.u32 s28, s29;
	v0 =	vld.msk [tilespmem:$0x0 ss:$0x0], $0xffff  }
0xa4: {  	v1 =	vld [tilespmem:s7+$0x5D00]  }
0xa5: {  	v2 =	vld [tilespmem:s7+$0x5D80]  }
0xa6: {  	v3 =	vld [tilespmem:s7+$0x5E00]  }
0xa7: {  	v4 =	vld [tilespmem:s7+$0x5E80]  }
0xa8: {  	v5 =	vld [tilespmem:s7+$0x5F00]  }
0xa9: {  	s30 =	sor.u32 s2, s2;
	v6 =	vld [tilespmem:s7+$0x5F80]  }
0xaa: {  	s3 =	sor.u32 $0x380, s30;
	v1 =	vmax.f32 v1, v2;
	v2 =	vld [tilespmem:s7+$0x6000]  }
0xab: {  	v1 =	vmax.f32 v1, v3;
	v3 =	vld [tilespmem:s3+$0x5D00]  }
0xac: {  	v1 =	vmax.f32 v1, v4;
	v4 =	vld [tilespmem:s7+$0x7D00]  }
0xad: {  	v8 =	vld [tilespmem:s7+$0x7D80];
	v1 =	vmax.f32 v1, v5  }
0xae: {  	v9 =	vld [tilespmem:s7+$0x7E00];
	v1 =	vmax.f32 v1, v6  }
0xaf: {  	v7 =	vld [tilespmem:s7+$0x7E80];
	v1 =	vmax.f32 v1, v2  }
0xb0: {  	v5 =	vld [tilespmem:s7+$0x7F00];
	v1 =	vmax.f32 v1, v3  }
0xb1: {  	s5 =	simm.s32 $0x80;
	s3 =	simm.s32 $0x10;
	v6 =	vld [tilespmem:s7+$0x7F80];
	v2 =	vlaneseq.u32;
	v3 =	vmax.f32 v1, v4  }
0xb2: {  	s6 =	sand.u32 $0x1C00, s5;
	s31 =	sand.u32 $0x70, s3;
	v1 =	vimm.f32 $0.0e+00;
	v4 =	vadd.s32 $0xFFFFFFFF, v2;
	v2 =	vmax.f32 v3, v8;
	v8 =	vld [tilespmem:s7+$0x8000]  }
0xb3: {  	s4 =	sor.u32 s31, s6;
	s6 =	simm.s32 $0x20;
	v3 =	vimm.f32 $0.0e+00;
	v10 =	vmax.f32 v2, v9;
	v9 =	vld [tilespmem:s7+$0x8080];
	v2 =	vimm.f32 $0.0e+00  }
.LBB2_8:
0xb4: {  	p0 =	sne.s32 s6, $0x3F0;
	v11 =	vld [tilespmem:s4+$0x5D00];
	v7 =	vmax.f32 v10, v7  }
0xb5: {  	v10 =	vld [tilespmem:s4+$0x5D80];
	v5 =	vmax.f32 v7, v5  }
0xb6: {  	v7 =	vld [tilespmem:s4+$0x5E00];
	v5 =	vmax.f32 v5, v6  }
0xb7: {  	v6 =	vld [tilespmem:s4+$0x5E80];
	v5 =	vmax.f32 v5, v8  }
0xb8: {  	v8 =	vld [tilespmem:s4+$0x5F00];
	v5 =	vmax.f32 v5, v9  }
0xb9: {  	s7 =	sor.u32 s5, s3;
	v12 =	vadd.s32 s2, v4;
	s2 =	smov.u32 s3;
	s3 =	smov.u32 s6;
	v9 =	vld [tilespmem:s4+$0x5F80];
	vm0 =	vgt.f32 v5, $0.0e+00  }
0xba: {  	s7 =	sor.u32 $0x380, s7;
	vm1 =	vlt.u32 v12, $0x3E7;
	v10 =	vmax.f32 v11, v10;
	v11 =	vld [tilespmem:s4+$0x6000];
	v12 =	vsel vm0, v5, v0  }
0xbb: {  	vm0 =	vge.f32 v5, $0.0e+00;
	v7 =	vmax.f32 v10, v7;
	v10 =	vld [tilespmem:s7+$0x5D00];
	v5 =	vsub.f32 $1.000000000e+00, v12  }
0xbc: {  	vm0 =	vmand vm1, vm0;
	v6 =	vmax.f32 v7, v6;
	v12 =	vld [tilespmem:s4+$0x7D00]  }
0xbd: {  	v7 =	vsel vm0, $0x3F800000, v1;
	v6 =	vmax.f32 v6, v8;
	v8 =	vld [tilespmem:s4+$0x7D80];
	v5 =	vnsel vm0, $0x0, v5  }
0xbe: {  	v2 =	vadd.f32 v7, v2;
	v6 =	vmax.f32 v6, v9;
	v9 =	vld [tilespmem:s4+$0x7E00];
	v3 =	vadd.f32 v5, v3  }
.Ltmp3:
0xbf: {  	v5 =	vmax.f32 v6, v11;
	v7 =	vld [tilespmem:s4+$0x7E80];
	(pc) =	sbr.rel @p0 .LBB2_8-.Ltmp3, $4  }
0xc0: {  	v6 =	vmax.f32 v5, v10;
	v5 =	vld [tilespmem:s4+$0x7F00]  }
0xc1: {  	s5 =	sadd.s32 $0x80, s5;
	v10 =	vmax.f32 v6, v12;
	v6 =	vld [tilespmem:s4+$0x7F80]  }
0xc2: {  	s8 =	sand.u32 $0x1C00, s5;
	s7 =	sand.u32 $0x70, s6;
	v10 =	vmax.f32 v10, v8;
	v8 =	vld [tilespmem:s4+$0x8000]  }
0xc3: {  	s6 =	sadd.s32 $0x10, s6;
	v10 =	vmax.f32 v10, v9;
	v9 =	vld [tilespmem:s4+$0x8080];
	s4 =	sor.u32 s7, s8  }
0xc4: {  	v11 =	vld [tilespmem:s4+$0x5D00]  }
0xc5: {  	v12 =	vld [tilespmem:s4+$0x5D80]  }
0xc6: {  	v13 =	vld [tilespmem:s4+$0x5E00]  }
0xc7: {  	v14 =	vld [tilespmem:s4+$0x5E80]  }
0xc8: {  	v15 =	vld [tilespmem:s4+$0x5F00]  }
0xc9: {  	v16 =	vld [tilespmem:s4+$0x5F80]  }
0xca: {  	v17 =	vld [tilespmem:s4+$0x6000]  }
0xcb: {  	v19 =	vld [tilespmem:s4+$0x7D00]  }
0xcc: {  	v20 =	vld [tilespmem:s4+$0x7D80]  }
0xcd: {  	v21 =	vld [tilespmem:$0x7970]  }
0xce: {  	v61 =	vld [tilespmem:s4+$0x7E00]  }
0xcf: {  	s5 =	sor.u32 s5, s3;
	v62 =	vld [tilespmem:$0x79F0]  }
0xd0: {  	v63 =	vld [tilespmem:s4+$0x7E80];
	s5 =	sor.u32 $0x380, s5;
	v11 =	vmax.f32 v11, v12  }
0xd1: {  	v18 =	vld [tilespmem:s5+$0x5D00];
	v11 =	vmax.f32 v11, v13  }
0xd2: {  	v24 =	vld [tilespmem:$0x7A70];
	v11 =	vmax.f32 v11, v14  }
0xd3: {  	v25 =	vld [tilespmem:s4+$0x7F00];
	v21 =	vadd.f32 $0.0e+00, v21;
	v11 =	vmax.f32 v11, v15  }
0xd4: {  	v26 =	vld [tilespmem:$0x7AF0];
	v11 =	vmax.f32 v11, v16  }
0xd5: {  	v27 =	vld [tilespmem:s4+$0x7F80];
	v13 =	vadd.f32 v62, v21;
	v11 =	vmax.f32 v11, v17  }
0xd6: {  	v29 =	vld [tilespmem:$0x7B70];
	v11 =	vmax.f32 v11, v18  }
0xd7: {  	v7 =	vmax.f32 v10, v7;
	v32 =	vld [tilespmem:s4+$0x8000];
	v31 =	vadd.f32 v24, v13;
	v28 =	vmax.f32 v11, v19  }
0xd8: {  	v34 =	vld [tilespmem:$0x7BF0];
	v38 =	vadd.s32 s2, v4;
	v5 =	vmax.f32 v7, v5;
	v30 =	vmax.f32 v28, v20  }
0xd9: {  	v36 =	vld [tilespmem:s4+$0x8080];
	v5 =	vmax.f32 v5, v6;
	v35 =	vadd.f32 v26, v31;
	v33 =	vmax.f32 v30, v61  }
0xda: {  	v37 =	vld [tilespmem:$0x7C70];
	v44 =	vadd.s32 s3, v4;
	v5 =	vmax.f32 v5, v8;
	v6 =	vmax.f32 v33, v63  }
0xdb: {  	v5 =	vmax.f32 v5, v9;
	v8 =	vadd.f32 v29, v35;
	v6 =	vmax.f32 v6, v25  }
0xdc: {  	v39 =	vld [tilespmem:$0x7CF0];
	vm1 =	vlt.u32 v38, $0x3E7;
	vm0 =	vgt.f32 v5, $0.0e+00;
	v6 =	vmax.f32 v6, v27  }
0xdd: {  	v40 =	vsel vm0, v5, v0;
	v41 =	vadd.f32 v34, v8;
	v6 =	vmax.f32 v6, v32  }
0xde: {  	v43 =	vld [tilespmem:$0x9970];
	vm11 =	vge.f32 v5, $0.0e+00;
	v42 =	vsub.f32 $1.000000000e+00, v40;
	v6 =	vmax.f32 v6, v36  }
0xdf: {  	vm0 =	vmand vm1, vm11;
	v5 =	vadd.f32 v37, v41;
	vm12 =	vgt.f32 v6, $0.0e+00  }
0xe0: {  	v46 =	vld [tilespmem:$0x99F0];
	vm2 =	vlt.u32 v44, $0x3E7;
	v7 =	vnsel vm0, $0x0, v42;
	v45 =	vsel vm12, v6, v0  }
0xe1: {  	v5 =	vadd.f32 v39, v5;
	vm13 =	vge.f32 v6, $0.0e+00;
	v0 =	vsub.f32 $1.000000000e+00, v45  }
0xe2: {  	v48 =	vld [tilespmem:$0x9A70];
	v47 =	vsel vm0, $0x3F800000, v1;
	v3 =	vadd.f32 v7, v3;
	vm14 =	vmand vm2, vm13  }
0xe3: {  	v2 =	vadd.f32 v47, v2;
	v5 =	vadd.f32 v43, v5;
	v0 =	vnsel vm14, $0x0, v0  }
0xe4: {  	v50 =	vld [tilespmem:$0x9AF0];
	v49 =	vsel vm14, $0x3F800000, v1;
	v0 =	vadd.f32 v0, v3  }
0xe5: {  	v1 =	vadd.f32 v49, v2;
	v51 =	vadd.f32 v46, v5  }
0xe6: {  	v52 =	vld [tilespmem:$0x9B70];
	(xrf2) =	vadd.scan.msk.f32 $0xffff, v0  }
0xe7: {  	v53 =	vadd.f32 v48, v51;
	(xrf2) =	vadd.scan.msk.f32 $0xffff, v1  }
0xe8: {  	v54 =	vld [tilespmem:$0x9BF0]  }
0xe9: {  	v0 =	vadd.f32 v50, v53  }
0xea: {  	v55 =	vld [tilespmem:$0x9C70]  }
0xeb: {  	v0 =	vadd.f32 v52, v0  }
0xec: {  	v56 =	vld [tilespmem:$0x9CF0]  }
0xed: {  	v0 =	vadd.f32 v54, v0;
	_ =	sdelay $0x1  }
0xee: {  	v0 =	vadd.f32 v55, v0  }
0xef: {  	v57, _, _ =	vpop (xrf2)  }
0xf0: {  	v0 =	vadd.f32 v56, v0;
	v58, _, _ =	vpop (xrf2)  }
0xf1: {  	v2 =	vbroadcast v58, $0xF  }
0xf2: {  	v3 =	vbroadcast v0, $0x1  }
0xf3: {  	(erf) = vrcp.f32 v2  }
0xf4: {  	(erf) = vrcp.f32 v3;
	_ =	sdelay $0x7  }
0xf5: {  	v0 =	vbroadcast v0, $0x0;
	v59 =	vpop (erf)  }
0xf6: {  	v60 =	vpop (erf)  }
0xf7: {  	v1 =	vbroadcast v57, $0xF;
	v61 =	vmul.f32 v60, v0;
	_ =	sdelay $0x1  }
0xf8: {  	v62 =	vmul.f32 v59, v1;
	v63 =	vmul.f32 v61, v3;
	_ =	sdelay $0x1  }
0xf9: {  	v2 =	vmul.f32 v62, v2;
	v0 =	vsub.f32 v0, v63;
	_ =	sdelay $0x1  }
0xfa: {  	v1 =	vsub.f32 v1, v2;
	v0 =	vmul.f32 v0, v60;
	_ =	sdelay $0x1  }
0xfb: {  	v1 =	vmul.f32 v1, v59;
	v0 =	vadd.f32 v0, v61;
	_ =	sdelay $0x1  }
0xfc: {  	v1 =	vadd.f32 v1, v62;
	v0 =	vmul.f32 $1.000000010e-01, v0;
	_ =	sdelay $0x1  }
0xfd: {  	v0 =	vadd.f32 v0, v1  }
0xfe: {  	vm15 =	vgt.f32 v3, $0.0e+00  }
0xff: {  	v0 =	vsel vm15, v0, v1  }
0x100: {  	s29 =	simm.s32 $0x0;
	s30 =	simm.s32 $0x9D00;
	s31 =	simm.s32 $0x2;
	[tilespmem:$0x9D00] =	vst v0  }
0x101: {  	[hbm4b:s1+s29] =	stream.linear.scatter [tilespmem:s30], [sflag:$0x2], $0x80, $0x38;
	[tilespmem:$0xA180] =	vst v63  }
0x102: {  	_ =	swait.ge [sflag:s31], $0x80  }
0x103: {  	[sflag:s31] =	ssyncset.done $0x0  }
0x104: {  	[sflag:s31] =	ssyncadd.s32 $0xFFFFFF80  }
0x105: {  	_ =	sfence.sel $0x180000  }
0x106: {  	[bflag:$0x0] =	sbarrier.arrive $0xFFFF  }
0x107: {  	_ =	strace $0x90000047  }
0x108: {  	s0 =	sadd.s32 $0x100000, s0;
	[bflag:$0x2] =	sbarrier.arrive $0xFFFF  }
0x109: {  	[sflag:s0] =	ssyncadd.tile.s32 $0x1;
	_ =	shalt  }
.Lfunc_end2:
_tile_overlayer_lowered:
.L_overlay_start_2:
0x10a: {  	(tag) =	ssettag $0x2  }
0x10b: {  	s0 =	rddreg [dreg:$0x0];
	s2 =	stileid.u32  }
0x10c: {  	s1 =	rddreg [dreg:$0x1];
	p0 =	sne.s32 s2, $0x0  }
0x10d: {  	s3 =	rddreg [dreg:$0x2];
	[bflag:$0x3] =	sbarrier.arrive $0xFFFF;
	s2 =	simm.s32 @!p0 $0x1C02  }
0x10e: {  	[timem:s3], [sflag:s2] =	dma.local @!p0 [hbm:s0], s1  }
0x10f: {  	s0 =	simm.s32 @!p0 $0x2  }
0x110: {  	_ =	swait.ge @!p0 [sflag:s0], s1  }
0x111: {  	s1 =	ssub.s32 @!p0 $0x0, s1;
	[sflag:s0] =	ssyncset.done @!p0 $0x0  }
0x112: {  	[sflag:s0] =	ssyncadd.s32 @!p0 s1  }
0x113: {  	[bflag:$0x3] =	sbarrier.arrive $0xFFFF  }
0x114: {  	_ =	shalt  }

</sc_bundles>
